<compile_context>
chip_gen: v7x
topology: tpu7x:2x2x1
jax: 0.10.2.dev20260603
libtpu: 0.0.44.dev20260713+nightly
codegen_flags: <defaults>
</compile_context>

<pallas_src>
import functools

import jax
import jax.numpy as jnp
from jax import lax
from jax.experimental import pallas as pl
from jax.experimental.pallas import tpu as pltpu
from jax.experimental.pallas import tpu_sc as plsc

N = 10000
E = 320000
D = 128
NC = 2
NS = 16
NW = NC * NS
EPW = E // NW
K = 125
NCHUNK = EPW // K
NH = 2
HCHUNK = NCHUNK // NH
NPAD = 10112
RPT = NPAD // NS
DNPAD = 10240
DPT = DNPAD // NS

_MESH = plsc.VectorSubcoreMesh(core_axis_name="c", subcore_axis_name="s")


def _make_sc_pass(with_deg: bool):
    out_type = [jax.ShapeDtypeStruct((NC, NPAD, D), jnp.float32)]
    if with_deg:
        out_type.append(jax.ShapeDtypeStruct((NC * DNPAD,), jnp.float32))

    scratch = dict(
        src_v=pltpu.VMEM((HCHUNK, K), jnp.int32),
        dst_v=pltpu.VMEM((HCHUNK, K), jnp.int32),
        rows0=pltpu.VMEM((K, D), jnp.float32),
        rows1=pltpu.VMEM((K, D), jnp.float32),
        ones_v=pltpu.VMEM((128,), jnp.float32),
        acc=pltpu.VMEM_SHARED((NPAD, D), jnp.float32),
        dacc=pltpu.VMEM_SHARED((DNPAD,), jnp.float32),
        gsem0=pltpu.SemaphoreType.DMA,
        gsem1=pltpu.SemaphoreType.DMA,
        ssem0=pltpu.SemaphoreType.DMA,
        ssem1=pltpu.SemaphoreType.DMA,
    )

    @functools.partial(
        pl.kernel, mesh=_MESH, out_type=out_type,
        scratch_types=list(scratch.values()),
    )
    def sc_pass(table_h, src_h, dst_h, z2_h, z1_h, *rest):
        if with_deg:
            part_h, deg_h = rest[0], rest[1]
            rest = rest[2:]
        else:
            part_h = rest[0]
            rest = rest[1:]
        (src_v, dst_v, rows0, rows1, ones_v, acc, dacc,
         gsem0, gsem1, ssem0, ssem1) = rest

        c = lax.axis_index("c")
        s = lax.axis_index("s")
        w = c * NS + s

        pltpu.sync_copy(z2_h, acc.at[pl.ds(s * RPT, RPT)])
        if with_deg:
            pltpu.sync_copy(z1_h, dacc.at[pl.ds(s * DPT, DPT)])
            for j in range(8):
                ones_v[pl.ds(j * 16, 16)] = jnp.ones((16,), jnp.float32)
        plsc.subcore_barrier()

        ones_k = ones_v.at[pl.ds(0, K)]
        half = HCHUNK // 2

        def gather(g, buf, sem):
            return pltpu.async_copy(table_h.at[src_v.at[g]], buf, sem)

        for hh in range(NH):
            pltpu.sync_copy(src_h.at[w, hh], src_v)
            pltpu.sync_copy(dst_h.at[w, hh], dst_v)
            gather(0, rows0, gsem0)
            gather(1, rows1, gsem1)

            def body(i, carry):
                g = 2 * i
                pltpu.make_async_copy(
                    table_h.at[src_v.at[g]], rows0, gsem0).wait()
                sc0 = pltpu.async_copy(rows0, acc.at[dst_v.at[g]], ssem0,
                                       add=True)
                if with_deg:
                    pltpu.sync_copy(ones_k, dacc.at[dst_v.at[g]], add=True)
                pltpu.make_async_copy(
                    table_h.at[src_v.at[g + 1]], rows1, gsem1).wait()
                sc1 = pltpu.async_copy(rows1, acc.at[dst_v.at[g + 1]], ssem1,
                                       add=True)
                if with_deg:
                    pltpu.sync_copy(ones_k, dacc.at[dst_v.at[g + 1]],
                                    add=True)
                sc0.wait()

                @pl.when(i < half - 1)
                def _():
                    gather(g + 2, rows0, gsem0)
                sc1.wait()

                @pl.when(i < half - 1)
                def _():
                    gather(g + 3, rows1, gsem1)
                return carry

            lax.fori_loop(0, half, body, 0)
        plsc.subcore_barrier()

        pltpu.sync_copy(acc.at[pl.ds(s * RPT, RPT)],
                        part_h.at[c, pl.ds(s * RPT, RPT)])
        if with_deg:
            pltpu.sync_copy(dacc.at[pl.ds(s * DPT, DPT)],
                            deg_h.at[pl.ds(c * DNPAD + s * DPT, DPT)])

    return sc_pass


_sc_pass_deg = _make_sc_pass(True)
_sc_pass = _make_sc_pass(False)

R = 1000
GRID = N // R


def _combine_body(with_bn, p_ref, d_ref, x_ref, wl_ref, b_ref, wr_ref,
                  g_ref, be_ref, m_ref, v_ref, o_ref):
    p = p_ref[0] + p_ref[1]
    d = d_ref[0] + d_ref[1]
    agg = p * (1.0 / jnp.maximum(d, 1.0))
    h = (jnp.dot(agg, wl_ref[...], preferred_element_type=jnp.float32)
         + jnp.dot(x_ref[...], wr_ref[...], preferred_element_type=jnp.float32)
         + b_ref[...])
    if with_bn:
        scale = g_ref[...] * lax.rsqrt(v_ref[...] + 1e-5)
        h = (h - m_ref[...]) * scale + be_ref[...]
        h = jnp.maximum(h, 0.0)
    o_ref[...] = h


def _make_combine(with_bn: bool):
    full = pl.BlockSpec((1, D), lambda i: (0, 0))
    in_specs = [
        pl.BlockSpec((NC, R, D), lambda i: (0, i, 0)),
        pl.BlockSpec((NC, R, 1), lambda i: (0, i, 0)),
        pl.BlockSpec((R, D), lambda i: (i, 0)),
        pl.BlockSpec((D, D), lambda i: (0, 0)),
        full,
        pl.BlockSpec((D, D), lambda i: (0, 0)),
        full, full, full, full,
    ]
    return pl.pallas_call(
        functools.partial(_combine_body, with_bn),
        grid=(GRID,),
        in_specs=in_specs,
        out_specs=pl.BlockSpec((R, D), lambda i: (i, 0)),
        out_shape=jax.ShapeDtypeStruct((N, D), jnp.float32),
    )


_combine_bn = _make_combine(True)
_combine_plain = _make_combine(False)


@jax.jit
def kernel(x, edge_index, W1_l, b1_l, W1_r, gamma, beta,
           running_mean, running_var, W2_l, b2_l, W2_r):
    src = edge_index[0].astype(jnp.int32).reshape(NW, NH, HCHUNK, K)
    dst = edge_index[1].astype(jnp.int32).reshape(NW, NH, HCHUNK, K)
    z2 = jnp.zeros((RPT, D), jnp.float32)
    z1 = jnp.zeros((DPT,), jnp.float32)

    p1, deg = _sc_pass_deg(x, src, dst, z2, z1)
    degc = deg.reshape(NC, DNPAD, 1)
    one128 = lambda a: a.reshape(1, D).astype(jnp.float32)

    h = _combine_bn(p1, degc, x, W1_l.T, one128(b1_l), W1_r.T,
                    one128(gamma), one128(beta),
                    one128(running_mean), one128(running_var))

    (p2,) = _sc_pass(h, src, dst, z2, z1)
    zero = jnp.zeros((1, D), jnp.float32)
    out = _combine_plain(p2, degc, h, W2_l.T, one128(b2_l), W2_r.T,
                         zero, zero, zero, zero)
    return out

# --- scband reference (transcript-rebuilt; emitter-appended) ---
"""Pipeline reference for scband-graph-sage-30889404793605 (READ-ONLY COPY).

The authoritative reference and input builder live on the scoring server;
editing this copy changes nothing except your own understanding.
"""

import jax, jax.numpy as jnp
import numpy as np

N_NODES = 10000
N_EDGES = 320000
D_IN = 128
D_HID = 128
D_OUT = 128


def setup_inputs(seed: int = 0) -> dict:
    key = jax.random.key(seed)
    ks = jax.random.split(key, 12)
    x = jax.random.normal(ks[0], (N_NODES, D_IN), dtype=jnp.float32)
    edge_index = jax.random.randint(ks[1], (2, N_EDGES), 0, N_NODES).astype(jnp.int64)
    s1 = 1.0 / np.sqrt(D_IN)
    W1_l = jax.random.uniform(ks[2], (D_HID, D_IN), minval=-s1, maxval=s1, dtype=jnp.float32)
    b1_l = jax.random.uniform(ks[3], (D_HID,), minval=-s1, maxval=s1, dtype=jnp.float32)
    W1_r = jax.random.uniform(ks[4], (D_HID, D_IN), minval=-s1, maxval=s1, dtype=jnp.float32)
    gamma = jnp.ones((D_HID,), dtype=jnp.float32)
    beta = jnp.zeros((D_HID,), dtype=jnp.float32)
    running_mean = jnp.zeros((D_HID,), dtype=jnp.float32)
    running_var = jnp.ones((D_HID,), dtype=jnp.float32)
    s2 = 1.0 / np.sqrt(D_HID)
    W2_l = jax.random.uniform(ks[5], (D_OUT, D_HID), minval=-s2, maxval=s2, dtype=jnp.float32)
    b2_l = jax.random.uniform(ks[6], (D_OUT,), minval=-s2, maxval=s2, dtype=jnp.float32)
    W2_r = jax.random.uniform(ks[7], (D_OUT, D_HID), minval=-s2, maxval=s2, dtype=jnp.float32)
    return {
        "x": x,
        "edge_index": edge_index,
        "W1_l": W1_l, "b1_l": b1_l, "W1_r": W1_r,
        "gamma": gamma, "beta": beta,
        "running_mean": running_mean, "running_var": running_var,
        "W2_l": W2_l, "b2_l": b2_l, "W2_r": W2_r,
    }


def _sage_conv(x, src, dst, W_l, b_l, W_r):
    # PyG SAGEConv (aggr='mean', root_weight=True):
    # out = lin_l(mean_{j in N(i)} x_j) + lin_r(x_i)
    n = x.shape[0]
    msg = jnp.take(x, src, axis=0)                                   # gather x_j
    agg_sum = jax.ops.segment_sum(msg, dst, num_segments=n)          # scatter-add by dst
    deg = jax.ops.segment_sum(jnp.ones((src.shape[0],), x.dtype), dst, num_segments=n)
    agg = agg_sum / jnp.maximum(deg, 1.0)[:, None]                   # mean aggregation
    return agg @ W_l.T + b_l + x @ W_r.T


def reference(x, edge_index, W1_l, b1_l, W1_r, gamma, beta,
              running_mean, running_var, W2_l, b2_l, W2_r):
    src = edge_index[0]
    dst = edge_index[1]
    h = _sage_conv(x, src, dst, W1_l, b1_l, W1_r)
    # BatchNorm1d in eval mode (running stats); dropout is identity in eval
    h = gamma * (h - running_mean) / jnp.sqrt(running_var + 1e-5) + beta
    h = jax.nn.relu(h)
    out = _sage_conv(h, src, dst, W2_l, b2_l, W2_r)
    return out

if __name__ == "__main__":
    import jax
    _d = setup_inputs()
    print(jax.jit(kernel)(*tuple(_d.values())))

</pallas_src>

<mosaic_0001>
#map = affine_map<(d0, d1) -> (0, 0)>
#map1 = affine_map<(d0, d1) -> (0, 0, 0, 0)>
#map2 = affine_map<(d0, d1) -> (0)>
#map3 = affine_map<(d0, d1) -> (0, 0, 0)>
module attributes {stable_mosaic.version = 14 : i64} {
  func.func @sc_pass(%arg0: i32, %arg1: i32, %arg2: memref<10000x128xf32, #tpu.memory_space<hbm>>, %arg3: memref<32x2x40x125xi32, #tpu.memory_space<hbm>>, %arg4: memref<32x2x40x125xi32, #tpu.memory_space<hbm>>, %arg5: memref<632x128xf32, #tpu.memory_space<hbm>>, %arg6: memref<640xf32, #tpu.memory_space<hbm>>, %arg7: memref<2x10112x128xf32, #tpu.memory_space<hbm>>, %arg8: memref<20480xf32, #tpu.memory_space<hbm>>, %arg9: memref<40x125xi32, #tpu.memory_space<vmem>>, %arg10: memref<40x125xi32, #tpu.memory_space<vmem>>, %arg11: memref<125x128xf32, #tpu.memory_space<vmem>>, %arg12: memref<125x128xf32, #tpu.memory_space<vmem>>, %arg13: memref<128xf32, #tpu.memory_space<vmem>>, %arg14: memref<10112x128xf32, #tpu.memory_space<vmem_shared>>, %arg15: memref<10240xf32, #tpu.memory_space<vmem_shared>>, %arg16: memref<!tpu.dma_semaphore, #tpu.memory_space<semaphore_mem>>, %arg17: memref<!tpu.dma_semaphore, #tpu.memory_space<semaphore_mem>>, %arg18: memref<!tpu.dma_semaphore, #tpu.memory_space<semaphore_mem>>, %arg19: memref<!tpu.dma_semaphore, #tpu.memory_space<semaphore_mem>>) attributes {dimension_semantics = [#tpu.dimension_semantics<core_parallel>, #tpu.dimension_semantics<subcore_parallel>], iteration_bounds = array<i64: 2, 16>, scalar_prefetch = 0 : i64, scratch_operands = 11 : i64, tpu.core_type = #tpu.core_type<sc_vector_subcore>, window_params = [{transform_indices = #map}, {transform_indices = #map1}, {transform_indices = #map1}, {transform_indices = #map}, {transform_indices = #map2}, {transform_indices = #map3}, {transform_indices = #map2}]} {
    %mul3A = arith.constant 16 : i32
    %mul3A_0 = arith.muli %arg0, %mul3A : i32
    %add3A = arith.addi %mul3A_0, %arg1 : i32
    %mul3A_1 = arith.constant 632 : i32
    %mul3A_2 = arith.muli %arg1, %mul3A_1 : i32
    "tpu.region"() ({
      %run_scoped3A_104 = tpu.sem_alloc : memref<!tpu.dma_semaphore, #tpu.memory_space<semaphore_mem>>
      %dma_start3A_105 = arith.constant 0 : i32
      %dma_start3A_106 = tpu.memref_slice %arg14[%mul3A_2, %dma_start3A_105] : memref<10112x128xf32, #tpu.memory_space<vmem_shared>> -> memref<632x128xf32, #tpu.memory_space<vmem_shared>>
      tpu.enqueue_dma source(%arg5 : memref<632x128xf32, #tpu.memory_space<hbm>>) target(%dma_start3A_106 : memref<632x128xf32, #tpu.memory_space<vmem_shared>>) target_semaphore(%run_scoped3A_104 : memref<!tpu.dma_semaphore, #tpu.memory_space<semaphore_mem>>)
      %dma_wait3A = arith.constant 0 : i32
      %dma_wait3A_107 = tpu.memref_slice %arg14[%mul3A_2, %dma_wait3A] : memref<10112x128xf32, #tpu.memory_space<vmem_shared>> -> memref<632x128xf32, #tpu.memory_space<vmem_shared>>
      tpu.wait_dma2 semaphore(%run_scoped3A_104 : memref<!tpu.dma_semaphore, #tpu.memory_space<semaphore_mem>>) src(%arg5 : memref<632x128xf32, #tpu.memory_space<hbm>>) dst(%dma_wait3A_107 : memref<632x128xf32, #tpu.memory_space<vmem_shared>>)
      tpu.yield
    }) : () -> ()
    %mul3A_3 = arith.constant 640 : i32
    %mul3A_4 = arith.muli %arg1, %mul3A_3 : i32
    "tpu.region"() ({
      %run_scoped3A_104 = tpu.sem_alloc : memref<!tpu.dma_semaphore, #tpu.memory_space<semaphore_mem>>
      %dma_start3A_105 = tpu.memref_slice %arg15[%mul3A_4] : memref<10240xf32, #tpu.memory_space<vmem_shared>> -> memref<640xf32, #tpu.memory_space<vmem_shared>>
      tpu.enqueue_dma source(%arg6 : memref<640xf32, #tpu.memory_space<hbm>>) target(%dma_start3A_105 : memref<640xf32, #tpu.memory_space<vmem_shared>>) target_semaphore(%run_scoped3A_104 : memref<!tpu.dma_semaphore, #tpu.memory_space<semaphore_mem>>)
      %dma_wait3A = tpu.memref_slice %arg15[%mul3A_4] : memref<10240xf32, #tpu.memory_space<vmem_shared>> -> memref<640xf32, #tpu.memory_space<vmem_shared>>
      tpu.wait_dma2 semaphore(%run_scoped3A_104 : memref<!tpu.dma_semaphore, #tpu.memory_space<semaphore_mem>>) src(%arg6 : memref<640xf32, #tpu.memory_space<hbm>>) dst(%dma_wait3A : memref<640xf32, #tpu.memory_space<vmem_shared>>)
      tpu.yield
    }) : () -> ()
    %broadcast_in_dim3A = arith.constant 1.000000e+00 : f32
    %broadcast_in_dim3A_5 = vector.broadcast %broadcast_in_dim3A : f32 to vector<16xf32>
    %swap3A = arith.constant 0 : index
    %swap3A_6 = tpu.vector_load %arg13[%swap3A] {strides = array<i32>} : memref<128xf32, #tpu.memory_space<vmem>>, vector<16xf32>,
    %swap3A_7 = vector.shape_cast %swap3A_6 : vector<16xf32> to vector<16xf32>
    %swap3A_8 = vector.shape_cast %broadcast_in_dim3A_5 : vector<16xf32> to vector<16xf32>
    tpu.vector_store %arg13[%swap3A], %swap3A_8 {strides = array<i32>} : memref<128xf32, #tpu.memory_space<vmem>>, vector<16xf32>,
    %broadcast_in_dim3A_9 = arith.constant 1.000000e+00 : f32
    %broadcast_in_dim3A_10 = vector.broadcast %broadcast_in_dim3A_9 : f32 to vector<16xf32>
    %swap3A_11 = arith.constant 16 : index
    %swap3A_12 = tpu.vector_load %arg13[%swap3A_11] {strides = array<i32>} : memref<128xf32, #tpu.memory_space<vmem>>, vector<16xf32>,
    %swap3A_13 = vector.shape_cast %swap3A_12 : vector<16xf32> to vector<16xf32>
    %swap3A_14 = vector.shape_cast %broadcast_in_dim3A_10 : vector<16xf32> to vector<16xf32>
    tpu.vector_store %arg13[%swap3A_11], %swap3A_14 {strides = array<i32>} : memref<128xf32, #tpu.memory_space<vmem>>, vector<16xf32>,
    %broadcast_in_dim3A_15 = arith.constant 1.000000e+00 : f32
    %broadcast_in_dim3A_16 = vector.broadcast %broadcast_in_dim3A_15 : f32 to vector<16xf32>
    %swap3A_17 = arith.constant 32 : index
    %swap3A_18 = tpu.vector_load %arg13[%swap3A_17] {strides = array<i32>} : memref<128xf32, #tpu.memory_space<vmem>>, vector<16xf32>,
    %swap3A_19 = vector.shape_cast %swap3A_18 : vector<16xf32> to vector<16xf32>
    %swap3A_20 = vector.shape_cast %broadcast_in_dim3A_16 : vector<16xf32> to vector<16xf32>
    tpu.vector_store %arg13[%swap3A_17], %swap3A_20 {strides = array<i32>} : memref<128xf32, #tpu.memory_space<vmem>>, vector<16xf32>,
    %broadcast_in_dim3A_21 = arith.constant 1.000000e+00 : f32
    %broadcast_in_dim3A_22 = vector.broadcast %broadcast_in_dim3A_21 : f32 to vector<16xf32>
    %swap3A_23 = arith.constant 48 : index
    %swap3A_24 = tpu.vector_load %arg13[%swap3A_23] {strides = array<i32>} : memref<128xf32, #tpu.memory_space<vmem>>, vector<16xf32>,
    %swap3A_25 = vector.shape_cast %swap3A_24 : vector<16xf32> to vector<16xf32>
    %swap3A_26 = vector.shape_cast %broadcast_in_dim3A_22 : vector<16xf32> to vector<16xf32>
    tpu.vector_store %arg13[%swap3A_23], %swap3A_26 {strides = array<i32>} : memref<128xf32, #tpu.memory_space<vmem>>, vector<16xf32>,
    %broadcast_in_dim3A_27 = arith.constant 1.000000e+00 : f32
    %broadcast_in_dim3A_28 = vector.broadcast %broadcast_in_dim3A_27 : f32 to vector<16xf32>
    %swap3A_29 = arith.constant 64 : index
    %swap3A_30 = tpu.vector_load %arg13[%swap3A_29] {strides = array<i32>} : memref<128xf32, #tpu.memory_space<vmem>>, vector<16xf32>,
    %swap3A_31 = vector.shape_cast %swap3A_30 : vector<16xf32> to vector<16xf32>
    %swap3A_32 = vector.shape_cast %broadcast_in_dim3A_28 : vector<16xf32> to vector<16xf32>
    tpu.vector_store %arg13[%swap3A_29], %swap3A_32 {strides = array<i32>} : memref<128xf32, #tpu.memory_space<vmem>>, vector<16xf32>,
    %broadcast_in_dim3A_33 = arith.constant 1.000000e+00 : f32
    %broadcast_in_dim3A_34 = vector.broadcast %broadcast_in_dim3A_33 : f32 to vector<16xf32>
    %swap3A_35 = arith.constant 80 : index
    %swap3A_36 = tpu.vector_load %arg13[%swap3A_35] {strides = array<i32>} : memref<128xf32, #tpu.memory_space<vmem>>, vector<16xf32>,
    %swap3A_37 = vector.shape_cast %swap3A_36 : vector<16xf32> to vector<16xf32>
    %swap3A_38 = vector.shape_cast %broadcast_in_dim3A_34 : vector<16xf32> to vector<16xf32>
    tpu.vector_store %arg13[%swap3A_35], %swap3A_38 {strides = array<i32>} : memref<128xf32, #tpu.memory_space<vmem>>, vector<16xf32>,
    %broadcast_in_dim3A_39 = arith.constant 1.000000e+00 : f32
    %broadcast_in_dim3A_40 = vector.broadcast %broadcast_in_dim3A_39 : f32 to vector<16xf32>
    %swap3A_41 = arith.constant 96 : index
    %swap3A_42 = tpu.vector_load %arg13[%swap3A_41] {strides = array<i32>} : memref<128xf32, #tpu.memory_space<vmem>>, vector<16xf32>,
    %swap3A_43 = vector.shape_cast %swap3A_42 : vector<16xf32> to vector<16xf32>
    %swap3A_44 = vector.shape_cast %broadcast_in_dim3A_40 : vector<16xf32> to vector<16xf32>
    tpu.vector_store %arg13[%swap3A_41], %swap3A_44 {strides = array<i32>} : memref<128xf32, #tpu.memory_space<vmem>>, vector<16xf32>,
    %broadcast_in_dim3A_45 = arith.constant 1.000000e+00 : f32
    %broadcast_in_dim3A_46 = vector.broadcast %broadcast_in_dim3A_45 : f32 to vector<16xf32>
    %swap3A_47 = arith.constant 112 : index
    %swap3A_48 = tpu.vector_load %arg13[%swap3A_47] {strides = array<i32>} : memref<128xf32, #tpu.memory_space<vmem>>, vector<16xf32>,
    %swap3A_49 = vector.shape_cast %swap3A_48 : vector<16xf32> to vector<16xf32>
    %swap3A_50 = vector.shape_cast %broadcast_in_dim3A_46 : vector<16xf32> to vector<16xf32>
    tpu.vector_store %arg13[%swap3A_47], %swap3A_50 {strides = array<i32>} : memref<128xf32, #tpu.memory_space<vmem>>, vector<16xf32>,
    %barrier3A = arith.constant 0 : index
    tpu.barrier barrier_id(%barrier3A)
    %run_scoped3A = arith.constant 0 : i32
    "tpu.region"() ({
      %run_scoped3A_104 = tpu.sem_alloc : memref<!tpu.dma_semaphore, #tpu.memory_space<semaphore_mem>>
      %dma_start3A_105 = arith.constant 0 : i32
      %dma_start3A_106 = arith.constant 0 : i32
      %dma_start3A_107 = tpu.memref_slice %arg3[%add3A, %run_scoped3A, %dma_start3A_105, %dma_start3A_106] : memref<32x2x40x125xi32, #tpu.memory_space<hbm>> -> memref<1x1x40x125xi32, #tpu.memory_space<hbm>>
      %dma_start3A_108 = tpu.memref_squeeze %dma_start3A_107 : memref<1x1x40x125xi32, #tpu.memory_space<hbm>> -> memref<40x125xi32, #tpu.memory_space<hbm>>
      %dma_start3A_109 = arith.constant 0 : i32
      %dma_start3A_110 = arith.constant 0 : i32
      %dma_start3A_111 = tpu.memref_slice %arg3[%add3A, %run_scoped3A, %dma_start3A_109, %dma_start3A_110] : memref<32x2x40x125xi32, #tpu.memory_space<hbm>> -> memref<1x1x40x125xi32, #tpu.memory_space<hbm>>
      %dma_start3A_112 = tpu.memref_squeeze %dma_start3A_111 : memref<1x1x40x125xi32, #tpu.memory_space<hbm>> -> memref<40x125xi32, #tpu.memory_space<hbm>>
      tpu.enqueue_dma source(%dma_start3A_112 : memref<40x125xi32, #tpu.memory_space<hbm>>) target(%arg9 : memref<40x125xi32, #tpu.memory_space<vmem>>) target_semaphore(%run_scoped3A_104 : memref<!tpu.dma_semaphore, #tpu.memory_space<semaphore_mem>>)
      %dma_wait3A = arith.constant 0 : i32
      %dma_wait3A_113 = arith.constant 0 : i32
      %dma_wait3A_114 = tpu.memref_slice %arg3[%add3A, %run_scoped3A, %dma_wait3A, %dma_wait3A_113] : memref<32x2x40x125xi32, #tpu.memory_space<hbm>> -> memref<1x1x40x125xi32, #tpu.memory_space<hbm>>
      %dma_wait3A_115 = tpu.memref_squeeze %dma_wait3A_114 : memref<1x1x40x125xi32, #tpu.memory_space<hbm>> -> memref<40x125xi32, #tpu.memory_space<hbm>>
      %dma_wait3A_116 = arith.constant 0 : i32
      %dma_wait3A_117 = arith.constant 0 : i32
      %dma_wait3A_118 = tpu.memref_slice %arg3[%add3A, %run_scoped3A, %dma_wait3A_116, %dma_wait3A_117] : memref<32x2x40x125xi32, #tpu.memory_space<hbm>> -> memref<1x1x40x125xi32, #tpu.memory_space<hbm>>
      %dma_wait3A_119 = tpu.memref_squeeze %dma_wait3A_118 : memref<1x1x40x125xi32, #tpu.memory_space<hbm>> -> memref<40x125xi32, #tpu.memory_space<hbm>>
      tpu.wait_dma2 semaphore(%run_scoped3A_104 : memref<!tpu.dma_semaphore, #tpu.memory_space<semaphore_mem>>) src(%dma_wait3A_119 : memref<40x125xi32, #tpu.memory_space<hbm>>) dst(%arg9 : memref<40x125xi32, #tpu.memory_space<vmem>>)
      tpu.yield
    }) : () -> ()
    %run_scoped3A_51 = arith.constant 0 : i32
    "tpu.region"() ({
      %run_scoped3A_104 = tpu.sem_alloc : memref<!tpu.dma_semaphore, #tpu.memory_space<semaphore_mem>>
      %dma_start3A_105 = arith.constant 0 : i32
      %dma_start3A_106 = arith.constant 0 : i32
      %dma_start3A_107 = tpu.memref_slice %arg4[%add3A, %run_scoped3A_51, %dma_start3A_105, %dma_start3A_106] : memref<32x2x40x125xi32, #tpu.memory_space<hbm>> -> memref<1x1x40x125xi32, #tpu.memory_space<hbm>>
      %dma_start3A_108 = tpu.memref_squeeze %dma_start3A_107 : memref<1x1x40x125xi32, #tpu.memory_space<hbm>> -> memref<40x125xi32, #tpu.memory_space<hbm>>
      %dma_start3A_109 = arith.constant 0 : i32
      %dma_start3A_110 = arith.constant 0 : i32
      %dma_start3A_111 = tpu.memref_slice %arg4[%add3A, %run_scoped3A_51, %dma_start3A_109, %dma_start3A_110] : memref<32x2x40x125xi32, #tpu.memory_space<hbm>> -> memref<1x1x40x125xi32, #tpu.memory_space<hbm>>
      %dma_start3A_112 = tpu.memref_squeeze %dma_start3A_111 : memref<1x1x40x125xi32, #tpu.memory_space<hbm>> -> memref<40x125xi32, #tpu.memory_space<hbm>>
      tpu.enqueue_dma source(%dma_start3A_112 : memref<40x125xi32, #tpu.memory_space<hbm>>) target(%arg10 : memref<40x125xi32, #tpu.memory_space<vmem>>) target_semaphore(%run_scoped3A_104 : memref<!tpu.dma_semaphore, #tpu.memory_space<semaphore_mem>>)
      %dma_wait3A = arith.constant 0 : i32
      %dma_wait3A_113 = arith.constant 0 : i32
      %dma_wait3A_114 = tpu.memref_slice %arg4[%add3A, %run_scoped3A_51, %dma_wait3A, %dma_wait3A_113] : memref<32x2x40x125xi32, #tpu.memory_space<hbm>> -> memref<1x1x40x125xi32, #tpu.memory_space<hbm>>
      %dma_wait3A_115 = tpu.memref_squeeze %dma_wait3A_114 : memref<1x1x40x125xi32, #tpu.memory_space<hbm>> -> memref<40x125xi32, #tpu.memory_space<hbm>>
      %dma_wait3A_116 = arith.constant 0 : i32
      %dma_wait3A_117 = arith.constant 0 : i32
      %dma_wait3A_118 = tpu.memref_slice %arg4[%add3A, %run_scoped3A_51, %dma_wait3A_116, %dma_wait3A_117] : memref<32x2x40x125xi32, #tpu.memory_space<hbm>> -> memref<1x1x40x125xi32, #tpu.memory_space<hbm>>
      %dma_wait3A_119 = tpu.memref_squeeze %dma_wait3A_118 : memref<1x1x40x125xi32, #tpu.memory_space<hbm>> -> memref<40x125xi32, #tpu.memory_space<hbm>>
      tpu.wait_dma2 semaphore(%run_scoped3A_104 : memref<!tpu.dma_semaphore, #tpu.memory_space<semaphore_mem>>) src(%dma_wait3A_119 : memref<40x125xi32, #tpu.memory_space<hbm>>) dst(%arg10 : memref<40x125xi32, #tpu.memory_space<vmem>>)
      tpu.yield
    }) : () -> ()
    %dma_start3A = arith.constant 0 : i32
    %dma_start3A_52 = arith.constant 0 : i32
    %dma_start3A_53 = tpu.memref_slice %arg9[%dma_start3A, %dma_start3A_52] : memref<40x125xi32, #tpu.memory_space<vmem>> -> memref<1x125xi32, #tpu.memory_space<vmem>>
    %dma_start3A_54 = tpu.memref_squeeze %dma_start3A_53 : memref<1x125xi32, #tpu.memory_space<vmem>> -> memref<125xi32, #tpu.memory_space<vmem>>
    %dma_start3A_55 = arith.constant 0 : i32
    %dma_start3A_56 = arith.constant 0 : i32
    %dma_start3A_57 = tpu.memref_slice %arg2[%dma_start3A_55, %dma_start3A_56] : memref<10000x128xf32, #tpu.memory_space<hbm>> -> memref<10000x128xf32, #tpu.memory_space<hbm>>
    tpu.enqueue_indirect_dma source(%dma_start3A_57 : memref<10000x128xf32, #tpu.memory_space<hbm>>) target(%arg11 : memref<125x128xf32, #tpu.memory_space<vmem>>) offsets(%dma_start3A_54 : memref<125xi32, #tpu.memory_space<vmem>>) semaphore(%arg16 : memref<!tpu.dma_semaphore, #tpu.memory_space<semaphore_mem>>)
    %dma_start3A_58 = arith.constant 1 : i32
    %dma_start3A_59 = arith.constant 0 : i32
    %dma_start3A_60 = tpu.memref_slice %arg9[%dma_start3A_58, %dma_start3A_59] : memref<40x125xi32, #tpu.memory_space<vmem>> -> memref<1x125xi32, #tpu.memory_space<vmem>>
    %dma_start3A_61 = tpu.memref_squeeze %dma_start3A_60 : memref<1x125xi32, #tpu.memory_space<vmem>> -> memref<125xi32, #tpu.memory_space<vmem>>
    %dma_start3A_62 = arith.constant 0 : i32
    %dma_start3A_63 = arith.constant 0 : i32
    %dma_start3A_64 = tpu.memref_slice %arg2[%dma_start3A_62, %dma_start3A_63] : memref<10000x128xf32, #tpu.memory_space<hbm>> -> memref<10000x128xf32, #tpu.memory_space<hbm>>
    tpu.enqueue_indirect_dma source(%dma_start3A_64 : memref<10000x128xf32, #tpu.memory_space<hbm>>) target(%arg12 : memref<125x128xf32, #tpu.memory_space<vmem>>) offsets(%dma_start3A_61 : memref<125xi32, #tpu.memory_space<vmem>>) semaphore(%arg17 : memref<!tpu.dma_semaphore, #tpu.memory_space<semaphore_mem>>)
    %scan3A = arith.constant 0 : i32
    %scan3A_65 = arith.constant 0 : i32
    %scan3A_66 = arith.constant 20 : i32
    %scan3A_67 = arith.addi %scan3A_65, %scan3A_66 : i32
    %scan3A_68 = arith.constant 1 : i32
    scf.for %scan3A_104 = %scan3A_65 to %scan3A_67 step %scan3A_68  : i32 {
      %mul3A_105 = arith.constant 2 : i32
      %mul3A_106 = arith.muli %mul3A_105, %scan3A_104 : i32
      %dma_wait3A = arith.constant 0 : i32
      %dma_wait3A_107 = tpu.memref_slice %arg9[%mul3A_106, %dma_wait3A] : memref<40x125xi32, #tpu.memory_space<vmem>> -> memref<1x125xi32, #tpu.memory_space<vmem>>
      %dma_wait3A_108 = tpu.memref_squeeze %dma_wait3A_107 : memref<1x125xi32, #tpu.memory_space<vmem>> -> memref<125xi32, #tpu.memory_space<vmem>>
      %dma_wait3A_109 = arith.constant 0 : i32
      %dma_wait3A_110 = arith.constant 0 : i32
      %dma_wait3A_111 = tpu.memref_slice %arg2[%dma_wait3A_109, %dma_wait3A_110] : memref<10000x128xf32, #tpu.memory_space<hbm>> -> memref<10000x128xf32, #tpu.memory_space<hbm>>
      tpu.wait_indirect_dma semaphore(%arg16 : memref<!tpu.dma_semaphore, #tpu.memory_space<semaphore_mem>>) src(%dma_wait3A_111 : memref<10000x128xf32, #tpu.memory_space<hbm>>) dst(%arg11 : memref<125x128xf32, #tpu.memory_space<vmem>>)
      %dma_start3A_112 = arith.constant 0 : i32
      %dma_start3A_113 = tpu.memref_slice %arg10[%mul3A_106, %dma_start3A_112] : memref<40x125xi32, #tpu.memory_space<vmem>> -> memref<1x125xi32, #tpu.memory_space<vmem>>
      %dma_start3A_114 = tpu.memref_squeeze %dma_start3A_113 : memref<1x125xi32, #tpu.memory_space<vmem>> -> memref<125xi32, #tpu.memory_space<vmem>>
      %dma_start3A_115 = arith.constant 0 : i32
      %dma_start3A_116 = arith.constant 0 : i32
      %dma_start3A_117 = tpu.memref_slice %arg14[%dma_start3A_115, %dma_start3A_116] : memref<10112x128xf32, #tpu.memory_space<vmem_shared>> -> memref<10112x128xf32, #tpu.memory_space<vmem_shared>>
      tpu.enqueue_indirect_dma source(%arg11 : memref<125x128xf32, #tpu.memory_space<vmem>>) target(%dma_start3A_117 : memref<10112x128xf32, #tpu.memory_space<vmem_shared>>) offsets(%dma_start3A_114 : memref<125xi32, #tpu.memory_space<vmem>>) semaphore(%arg18 : memref<!tpu.dma_semaphore, #tpu.memory_space<semaphore_mem>>) {add = true}
      "tpu.region"() ({
        %run_scoped3A_155 = tpu.sem_alloc : memref<!tpu.dma_semaphore, #tpu.memory_space<semaphore_mem>>
        %dma_start3A_156 = arith.constant 0 : i32
        %dma_start3A_157 = tpu.memref_slice %arg13[%dma_start3A_156] : memref<128xf32, #tpu.memory_space<vmem>> -> memref<125xf32, #tpu.memory_space<vmem>>
        %dma_start3A_158 = arith.constant 0 : i32
        %dma_start3A_159 = tpu.memref_slice %arg10[%mul3A_106, %dma_start3A_158] : memref<40x125xi32, #tpu.memory_space<vmem>> -> memref<1x125xi32, #tpu.memory_space<vmem>>
        %dma_start3A_160 = tpu.memref_squeeze %dma_start3A_159 : memref<1x125xi32, #tpu.memory_space<vmem>> -> memref<125xi32, #tpu.memory_space<vmem>>
        %dma_start3A_161 = arith.constant 0 : i32
        %dma_start3A_162 = tpu.memref_slice %arg15[%dma_start3A_161] : memref<10240xf32, #tpu.memory_space<vmem_shared>> -> memref<10240xf32, #tpu.memory_space<vmem_shared>>
        tpu.enqueue_indirect_dma source(%dma_start3A_157 : memref<125xf32, #tpu.memory_space<vmem>>) target(%dma_start3A_162 : memref<10240xf32, #tpu.memory_space<vmem_shared>>) offsets(%dma_start3A_160 : memref<125xi32, #tpu.memory_space<vmem>>) semaphore(%run_scoped3A_155 : memref<!tpu.dma_semaphore, #tpu.memory_space<semaphore_mem>>) {add = true}
        %dma_wait3A_163 = arith.constant 0 : i32
        %dma_wait3A_164 = tpu.memref_slice %arg13[%dma_wait3A_163] : memref<128xf32, #tpu.memory_space<vmem>> -> memref<125xf32, #tpu.memory_space<vmem>>
        %dma_wait3A_165 = arith.constant 0 : i32
        %dma_wait3A_166 = tpu.memref_slice %arg10[%mul3A_106, %dma_wait3A_165] : memref<40x125xi32, #tpu.memory_space<vmem>> -> memref<1x125xi32, #tpu.memory_space<vmem>>
        %dma_wait3A_167 = tpu.memref_squeeze %dma_wait3A_166 : memref<1x125xi32, #tpu.memory_space<vmem>> -> memref<125xi32, #tpu.memory_space<vmem>>
        %dma_wait3A_168 = arith.constant 0 : i32
        %dma_wait3A_169 = tpu.memref_slice %arg15[%dma_wait3A_168] : memref<10240xf32, #tpu.memory_space<vmem_shared>> -> memref<10240xf32, #tpu.memory_space<vmem_shared>>
        tpu.wait_indirect_dma semaphore(%run_scoped3A_155 : memref<!tpu.dma_semaphore, #tpu.memory_space<semaphore_mem>>) src(%dma_wait3A_164 : memref<125xf32, #tpu.memory_space<vmem>>) dst(%dma_wait3A_169 : memref<10240xf32, #tpu.memory_space<vmem_shared>>)
        tpu.yield
      }) : () -> ()
      %add3A_118 = arith.constant 1 : i32
      %add3A_119 = arith.addi %mul3A_106, %add3A_118 : i32
      %dma_wait3A_120 = arith.constant 0 : i32
      %dma_wait3A_121 = tpu.memref_slice %arg9[%add3A_119, %dma_wait3A_120] : memref<40x125xi32, #tpu.memory_space<vmem>> -> memref<1x125xi32, #tpu.memory_space<vmem>>
      %dma_wait3A_122 = tpu.memref_squeeze %dma_wait3A_121 : memref<1x125xi32, #tpu.memory_space<vmem>> -> memref<125xi32, #tpu.memory_space<vmem>>
      %dma_wait3A_123 = arith.constant 0 : i32
      %dma_wait3A_124 = arith.constant 0 : i32
      %dma_wait3A_125 = tpu.memref_slice %arg2[%dma_wait3A_123, %dma_wait3A_124] : memref<10000x128xf32, #tpu.memory_space<hbm>> -> memref<10000x128xf32, #tpu.memory_space<hbm>>
      tpu.wait_indirect_dma semaphore(%arg17 : memref<!tpu.dma_semaphore, #tpu.memory_space<semaphore_mem>>) src(%dma_wait3A_125 : memref<10000x128xf32, #tpu.memory_space<hbm>>) dst(%arg12 : memref<125x128xf32, #tpu.memory_space<vmem>>)
      %add3A_126 = arith.constant 1 : i32
      %add3A_127 = arith.addi %mul3A_106, %add3A_126 : i32
      %dma_start3A_128 = arith.constant 0 : i32
      %dma_start3A_129 = tpu.memref_slice %arg10[%add3A_127, %dma_start3A_128] : memref<40x125xi32, #tpu.memory_space<vmem>> -> memref<1x125xi32, #tpu.memory_space<vmem>>
      %dma_start3A_130 = tpu.memref_squeeze %dma_start3A_129 : memref<1x125xi32, #tpu.memory_space<vmem>> -> memref<125xi32, #tpu.memory_space<vmem>>
      %dma_start3A_131 = arith.constant 0 : i32
      %dma_start3A_132 = arith.constant 0 : i32
      %dma_start3A_133 = tpu.memref_slice %arg14[%dma_start3A_131, %dma_start3A_132] : memref<10112x128xf32, #tpu.memory_space<vmem_shared>> -> memref<10112x128xf32, #tpu.memory_space<vmem_shared>>
      tpu.enqueue_indirect_dma source(%arg12 : memref<125x128xf32, #tpu.memory_space<vmem>>) target(%dma_start3A_133 : memref<10112x128xf32, #tpu.memory_space<vmem_shared>>) offsets(%dma_start3A_130 : memref<125xi32, #tpu.memory_space<vmem>>) semaphore(%arg19 : memref<!tpu.dma_semaphore, #tpu.memory_space<semaphore_mem>>) {add = true}
      %add3A_134 = arith.constant 1 : i32
      %add3A_135 = arith.addi %mul3A_106, %add3A_134 : i32
      "tpu.region"() ({
        %run_scoped3A_155 = tpu.sem_alloc : memref<!tpu.dma_semaphore, #tpu.memory_space<semaphore_mem>>
        %dma_start3A_156 = arith.constant 0 : i32
        %dma_start3A_157 = tpu.memref_slice %arg13[%dma_start3A_156] : memref<128xf32, #tpu.memory_space<vmem>> -> memref<125xf32, #tpu.memory_space<vmem>>
        %dma_start3A_158 = arith.constant 0 : i32
        %dma_start3A_159 = tpu.memref_slice %arg10[%add3A_135, %dma_start3A_158] : memref<40x125xi32, #tpu.memory_space<vmem>> -> memref<1x125xi32, #tpu.memory_space<vmem>>
        %dma_start3A_160 = tpu.memref_squeeze %dma_start3A_159 : memref<1x125xi32, #tpu.memory_space<vmem>> -> memref<125xi32, #tpu.memory_space<vmem>>
        %dma_start3A_161 = arith.constant 0 : i32
        %dma_start3A_162 = tpu.memref_slice %arg15[%dma_start3A_161] : memref<10240xf32, #tpu.memory_space<vmem_shared>> -> memref<10240xf32, #tpu.memory_space<vmem_shared>>
        tpu.enqueue_indirect_dma source(%dma_start3A_157 : memref<125xf32, #tpu.memory_space<vmem>>) target(%dma_start3A_162 : memref<10240xf32, #tpu.memory_space<vmem_shared>>) offsets(%dma_start3A_160 : memref<125xi32, #tpu.memory_space<vmem>>) semaphore(%run_scoped3A_155 : memref<!tpu.dma_semaphore, #tpu.memory_space<semaphore_mem>>) {add = true}
        %dma_wait3A_163 = arith.constant 0 : i32
        %dma_wait3A_164 = tpu.memref_slice %arg13[%dma_wait3A_163] : memref<128xf32, #tpu.memory_space<vmem>> -> memref<125xf32, #tpu.memory_space<vmem>>
        %dma_wait3A_165 = arith.constant 0 : i32
        %dma_wait3A_166 = tpu.memref_slice %arg10[%add3A_135, %dma_wait3A_165] : memref<40x125xi32, #tpu.memory_space<vmem>> -> memref<1x125xi32, #tpu.memory_space<vmem>>
        %dma_wait3A_167 = tpu.memref_squeeze %dma_wait3A_166 : memref<1x125xi32, #tpu.memory_space<vmem>> -> memref<125xi32, #tpu.memory_space<vmem>>
        %dma_wait3A_168 = arith.constant 0 : i32
        %dma_wait3A_169 = tpu.memref_slice %arg15[%dma_wait3A_168] : memref<10240xf32, #tpu.memory_space<vmem_shared>> -> memref<10240xf32, #tpu.memory_space<vmem_shared>>
        tpu.wait_indirect_dma semaphore(%run_scoped3A_155 : memref<!tpu.dma_semaphore, #tpu.memory_space<semaphore_mem>>) src(%dma_wait3A_164 : memref<125xf32, #tpu.memory_space<vmem>>) dst(%dma_wait3A_169 : memref<10240xf32, #tpu.memory_space<vmem_shared>>)
        tpu.yield
      }) : () -> ()
      %dma_wait3A_136 = arith.constant 0 : i32
      %dma_wait3A_137 = tpu.memref_slice %arg10[%mul3A_106, %dma_wait3A_136] : memref<40x125xi32, #tpu.memory_space<vmem>> -> memref<1x125xi32, #tpu.memory_space<vmem>>
      %dma_wait3A_138 = tpu.memref_squeeze %dma_wait3A_137 : memref<1x125xi32, #tpu.memory_space<vmem>> -> memref<125xi32, #tpu.memory_space<vmem>>
      %dma_wait3A_139 = arith.constant 0 : i32
      %dma_wait3A_140 = arith.constant 0 : i32
      %dma_wait3A_141 = tpu.memref_slice %arg14[%dma_wait3A_139, %dma_wait3A_140] : memref<10112x128xf32, #tpu.memory_space<vmem_shared>> -> memref<10112x128xf32, #tpu.memory_space<vmem_shared>>
      tpu.wait_indirect_dma semaphore(%arg18 : memref<!tpu.dma_semaphore, #tpu.memory_space<semaphore_mem>>) src(%arg11 : memref<125x128xf32, #tpu.memory_space<vmem>>) dst(%dma_wait3A_141 : memref<10112x128xf32, #tpu.memory_space<vmem_shared>>)
      %lt3A = arith.constant 19 : i32
      %lt3A_142 = arith.cmpi slt, %scan3A_104, %lt3A : i32
      %convert_element_type3A = arith.extui %lt3A_142 : i1 to i32
      %cond3A = arith.constant 0 : i32
      %cond3A_143 = arith.cmpi ne, %convert_element_type3A, %cond3A : i32
      scf.if %cond3A_143 {
        %add3A_155 = arith.constant 2 : i32
        %add3A_156 = arith.addi %mul3A_106, %add3A_155 : i32
        %dma_start3A_157 = arith.constant 0 : i32
        %dma_start3A_158 = tpu.memref_slice %arg9[%add3A_156, %dma_start3A_157] : memref<40x125xi32, #tpu.memory_space<vmem>> -> memref<1x125xi32, #tpu.memory_space<vmem>>
        %dma_start3A_159 = tpu.memref_squeeze %dma_start3A_158 : memref<1x125xi32, #tpu.memory_space<vmem>> -> memref<125xi32, #tpu.memory_space<vmem>>
        %dma_start3A_160 = arith.constant 0 : i32
        %dma_start3A_161 = arith.constant 0 : i32
        %dma_start3A_162 = tpu.memref_slice %arg2[%dma_start3A_160, %dma_start3A_161] : memref<10000x128xf32, #tpu.memory_space<hbm>> -> memref<10000x128xf32, #tpu.memory_space<hbm>>
        tpu.enqueue_indirect_dma source(%dma_start3A_162 : memref<10000x128xf32, #tpu.memory_space<hbm>>) target(%arg11 : memref<125x128xf32, #tpu.memory_space<vmem>>) offsets(%dma_start3A_159 : memref<125xi32, #tpu.memory_space<vmem>>) semaphore(%arg16 : memref<!tpu.dma_semaphore, #tpu.memory_space<semaphore_mem>>)
      } else {
      }
      %dma_wait3A_144 = arith.constant 0 : i32
      %dma_wait3A_145 = tpu.memref_slice %arg10[%add3A_127, %dma_wait3A_144] : memref<40x125xi32, #tpu.memory_space<vmem>> -> memref<1x125xi32, #tpu.memory_space<vmem>>
      %dma_wait3A_146 = tpu.memref_squeeze %dma_wait3A_145 : memref<1x125xi32, #tpu.memory_space<vmem>> -> memref<125xi32, #tpu.memory_space<vmem>>
      %dma_wait3A_147 = arith.constant 0 : i32
      %dma_wait3A_148 = arith.constant 0 : i32
      %dma_wait3A_149 = tpu.memref_slice %arg14[%dma_wait3A_147, %dma_wait3A_148] : memref<10112x128xf32, #tpu.memory_space<vmem_shared>> -> memref<10112x128xf32, #tpu.memory_space<vmem_shared>>
      tpu.wait_indirect_dma semaphore(%arg19 : memref<!tpu.dma_semaphore, #tpu.memory_space<semaphore_mem>>) src(%arg12 : memref<125x128xf32, #tpu.memory_space<vmem>>) dst(%dma_wait3A_149 : memref<10112x128xf32, #tpu.memory_space<vmem_shared>>)
      %lt3A_150 = arith.constant 19 : i32
      %lt3A_151 = arith.cmpi slt, %scan3A_104, %lt3A_150 : i32
      %convert_element_type3A_152 = arith.extui %lt3A_151 : i1 to i32
      %cond3A_153 = arith.constant 0 : i32
      %cond3A_154 = arith.cmpi ne, %convert_element_type3A_152, %cond3A_153 : i32
      scf.if %cond3A_154 {
        %add3A_155 = arith.constant 3 : i32
        %add3A_156 = arith.addi %mul3A_106, %add3A_155 : i32
        %dma_start3A_157 = arith.constant 0 : i32
        %dma_start3A_158 = tpu.memref_slice %arg9[%add3A_156, %dma_start3A_157] : memref<40x125xi32, #tpu.memory_space<vmem>> -> memref<1x125xi32, #tpu.memory_space<vmem>>
        %dma_start3A_159 = tpu.memref_squeeze %dma_start3A_158 : memref<1x125xi32, #tpu.memory_space<vmem>> -> memref<125xi32, #tpu.memory_space<vmem>>
        %dma_start3A_160 = arith.constant 0 : i32
        %dma_start3A_161 = arith.constant 0 : i32
        %dma_start3A_162 = tpu.memref_slice %arg2[%dma_start3A_160, %dma_start3A_161] : memref<10000x128xf32, #tpu.memory_space<hbm>> -> memref<10000x128xf32, #tpu.memory_space<hbm>>
        tpu.enqueue_indirect_dma source(%dma_start3A_162 : memref<10000x128xf32, #tpu.memory_space<hbm>>) target(%arg12 : memref<125x128xf32, #tpu.memory_space<vmem>>) offsets(%dma_start3A_159 : memref<125xi32, #tpu.memory_space<vmem>>) semaphore(%arg17 : memref<!tpu.dma_semaphore, #tpu.memory_space<semaphore_mem>>)
      } else {
      }
    }
    %scan3A_69 = arith.constant 20 : i32
    %run_scoped3A_70 = arith.constant 1 : i32
    "tpu.region"() ({
      %run_scoped3A_104 = tpu.sem_alloc : memref<!tpu.dma_semaphore, #tpu.memory_space<semaphore_mem>>
      %dma_start3A_105 = arith.constant 0 : i32
      %dma_start3A_106 = arith.constant 0 : i32
      %dma_start3A_107 = tpu.memref_slice %arg3[%add3A, %run_scoped3A_70, %dma_start3A_105, %dma_start3A_106] : memref<32x2x40x125xi32, #tpu.memory_space<hbm>> -> memref<1x1x40x125xi32, #tpu.memory_space<hbm>>
      %dma_start3A_108 = tpu.memref_squeeze %dma_start3A_107 : memref<1x1x40x125xi32, #tpu.memory_space<hbm>> -> memref<40x125xi32, #tpu.memory_space<hbm>>
      %dma_start3A_109 = arith.constant 0 : i32
      %dma_start3A_110 = arith.constant 0 : i32
      %dma_start3A_111 = tpu.memref_slice %arg3[%add3A, %run_scoped3A_70, %dma_start3A_109, %dma_start3A_110] : memref<32x2x40x125xi32, #tpu.memory_space<hbm>> -> memref<1x1x40x125xi32, #tpu.memory_space<hbm>>
      %dma_start3A_112 = tpu.memref_squeeze %dma_start3A_111 : memref<1x1x40x125xi32, #tpu.memory_space<hbm>> -> memref<40x125xi32, #tpu.memory_space<hbm>>
      tpu.enqueue_dma source(%dma_start3A_112 : memref<40x125xi32, #tpu.memory_space<hbm>>) target(%arg9 : memref<40x125xi32, #tpu.memory_space<vmem>>) target_semaphore(%run_scoped3A_104 : memref<!tpu.dma_semaphore, #tpu.memory_space<semaphore_mem>>)
      %dma_wait3A = arith.constant 0 : i32
      %dma_wait3A_113 = arith.constant 0 : i32
      %dma_wait3A_114 = tpu.memref_slice %arg3[%add3A, %run_scoped3A_70, %dma_wait3A, %dma_wait3A_113] : memref<32x2x40x125xi32, #tpu.memory_space<hbm>> -> memref<1x1x40x125xi32, #tpu.memory_space<hbm>>
      %dma_wait3A_115 = tpu.memref_squeeze %dma_wait3A_114 : memref<1x1x40x125xi32, #tpu.memory_space<hbm>> -> memref<40x125xi32, #tpu.memory_space<hbm>>
      %dma_wait3A_116 = arith.constant 0 : i32
      %dma_wait3A_117 = arith.constant 0 : i32
      %dma_wait3A_118 = tpu.memref_slice %arg3[%add3A, %run_scoped3A_70, %dma_wait3A_116, %dma_wait3A_117] : memref<32x2x40x125xi32, #tpu.memory_space<hbm>> -> memref<1x1x40x125xi32, #tpu.memory_space<hbm>>
      %dma_wait3A_119 = tpu.memref_squeeze %dma_wait3A_118 : memref<1x1x40x125xi32, #tpu.memory_space<hbm>> -> memref<40x125xi32, #tpu.memory_space<hbm>>
      tpu.wait_dma2 semaphore(%run_scoped3A_104 : memref<!tpu.dma_semaphore, #tpu.memory_space<semaphore_mem>>) src(%dma_wait3A_119 : memref<40x125xi32, #tpu.memory_space<hbm>>) dst(%arg9 : memref<40x125xi32, #tpu.memory_space<vmem>>)
      tpu.yield
    }) : () -> ()
    %run_scoped3A_71 = arith.constant 1 : i32
    "tpu.region"() ({
      %run_scoped3A_104 = tpu.sem_alloc : memref<!tpu.dma_semaphore, #tpu.memory_space<semaphore_mem>>
      %dma_start3A_105 = arith.constant 0 : i32
      %dma_start3A_106 = arith.constant 0 : i32
      %dma_start3A_107 = tpu.memref_slice %arg4[%add3A, %run_scoped3A_71, %dma_start3A_105, %dma_start3A_106] : memref<32x2x40x125xi32, #tpu.memory_space<hbm>> -> memref<1x1x40x125xi32, #tpu.memory_space<hbm>>
      %dma_start3A_108 = tpu.memref_squeeze %dma_start3A_107 : memref<1x1x40x125xi32, #tpu.memory_space<hbm>> -> memref<40x125xi32, #tpu.memory_space<hbm>>
      %dma_start3A_109 = arith.constant 0 : i32
      %dma_start3A_110 = arith.constant 0 : i32
      %dma_start3A_111 = tpu.memref_slice %arg4[%add3A, %run_scoped3A_71, %dma_start3A_109, %dma_start3A_110] : memref<32x2x40x125xi32, #tpu.memory_space<hbm>> -> memref<1x1x40x125xi32, #tpu.memory_space<hbm>>
      %dma_start3A_112 = tpu.memref_squeeze %dma_start3A_111 : memref<1x1x40x125xi32, #tpu.memory_space<hbm>> -> memref<40x125xi32, #tpu.memory_space<hbm>>
      tpu.enqueue_dma source(%dma_start3A_112 : memref<40x125xi32, #tpu.memory_space<hbm>>) target(%arg10 : memref<40x125xi32, #tpu.memory_space<vmem>>) target_semaphore(%run_scoped3A_104 : memref<!tpu.dma_semaphore, #tpu.memory_space<semaphore_mem>>)
      %dma_wait3A = arith.constant 0 : i32
      %dma_wait3A_113 = arith.constant 0 : i32
      %dma_wait3A_114 = tpu.memref_slice %arg4[%add3A, %run_scoped3A_71, %dma_wait3A, %dma_wait3A_113] : memref<32x2x40x125xi32, #tpu.memory_space<hbm>> -> memref<1x1x40x125xi32, #tpu.memory_space<hbm>>
      %dma_wait3A_115 = tpu.memref_squeeze %dma_wait3A_114 : memref<1x1x40x125xi32, #tpu.memory_space<hbm>> -> memref<40x125xi32, #tpu.memory_space<hbm>>
      %dma_wait3A_116 = arith.constant 0 : i32
      %dma_wait3A_117 = arith.constant 0 : i32
      %dma_wait3A_118 = tpu.memref_slice %arg4[%add3A, %run_scoped3A_71, %dma_wait3A_116, %dma_wait3A_117] : memref<32x2x40x125xi32, #tpu.memory_space<hbm>> -> memref<1x1x40x125xi32, #tpu.memory_space<hbm>>
      %dma_wait3A_119 = tpu.memref_squeeze %dma_wait3A_118 : memref<1x1x40x125xi32, #tpu.memory_space<hbm>> -> memref<40x125xi32, #tpu.memory_space<hbm>>
      tpu.wait_dma2 semaphore(%run_scoped3A_104 : memref<!tpu.dma_semaphore, #tpu.memory_space<semaphore_mem>>) src(%dma_wait3A_119 : memref<40x125xi32, #tpu.memory_space<hbm>>) dst(%arg10 : memref<40x125xi32, #tpu.memory_space<vmem>>)
      tpu.yield
    }) : () -> ()
    %dma_start3A_72 = arith.constant 0 : i32
    %dma_start3A_73 = arith.constant 0 : i32
    %dma_start3A_74 = tpu.memref_slice %arg9[%dma_start3A_72, %dma_start3A_73] : memref<40x125xi32, #tpu.memory_space<vmem>> -> memref<1x125xi32, #tpu.memory_space<vmem>>
    %dma_start3A_75 = tpu.memref_squeeze %dma_start3A_74 : memref<1x125xi32, #tpu.memory_space<vmem>> -> memref<125xi32, #tpu.memory_space<vmem>>
    %dma_start3A_76 = arith.constant 0 : i32
    %dma_start3A_77 = arith.constant 0 : i32
    %dma_start3A_78 = tpu.memref_slice %arg2[%dma_start3A_76, %dma_start3A_77] : memref<10000x128xf32, #tpu.memory_space<hbm>> -> memref<10000x128xf32, #tpu.memory_space<hbm>>
    tpu.enqueue_indirect_dma source(%dma_start3A_78 : memref<10000x128xf32, #tpu.memory_space<hbm>>) target(%arg11 : memref<125x128xf32, #tpu.memory_space<vmem>>) offsets(%dma_start3A_75 : memref<125xi32, #tpu.memory_space<vmem>>) semaphore(%arg16 : memref<!tpu.dma_semaphore, #tpu.memory_space<semaphore_mem>>)
    %dma_start3A_79 = arith.constant 1 : i32
    %dma_start3A_80 = arith.constant 0 : i32
    %dma_start3A_81 = tpu.memref_slice %arg9[%dma_start3A_79, %dma_start3A_80] : memref<40x125xi32, #tpu.memory_space<vmem>> -> memref<1x125xi32, #tpu.memory_space<vmem>>
    %dma_start3A_82 = tpu.memref_squeeze %dma_start3A_81 : memref<1x125xi32, #tpu.memory_space<vmem>> -> memref<125xi32, #tpu.memory_space<vmem>>
    %dma_start3A_83 = arith.constant 0 : i32
    %dma_start3A_84 = arith.constant 0 : i32
    %dma_start3A_85 = tpu.memref_slice %arg2[%dma_start3A_83, %dma_start3A_84] : memref<10000x128xf32, #tpu.memory_space<hbm>> -> memref<10000x128xf32, #tpu.memory_space<hbm>>
    tpu.enqueue_indirect_dma source(%dma_start3A_85 : memref<10000x128xf32, #tpu.memory_space<hbm>>) target(%arg12 : memref<125x128xf32, #tpu.memory_space<vmem>>) offsets(%dma_start3A_82 : memref<125xi32, #tpu.memory_space<vmem>>) semaphore(%arg17 : memref<!tpu.dma_semaphore, #tpu.memory_space<semaphore_mem>>)
    %scan3A_86 = arith.constant 0 : i32
    %scan3A_87 = arith.constant 0 : i32
    %scan3A_88 = arith.constant 20 : i32
    %scan3A_89 = arith.addi %scan3A_87, %scan3A_88 : i32
    %scan3A_90 = arith.constant 1 : i32
    scf.for %scan3A_104 = %scan3A_87 to %scan3A_89 step %scan3A_90  : i32 {
      %mul3A_105 = arith.constant 2 : i32
      %mul3A_106 = arith.muli %mul3A_105, %scan3A_104 : i32
      %dma_wait3A = arith.constant 0 : i32
      %dma_wait3A_107 = tpu.memref_slice %arg9[%mul3A_106, %dma_wait3A] : memref<40x125xi32, #tpu.memory_space<vmem>> -> memref<1x125xi32, #tpu.memory_space<vmem>>
      %dma_wait3A_108 = tpu.memref_squeeze %dma_wait3A_107 : memref<1x125xi32, #tpu.memory_space<vmem>> -> memref<125xi32, #tpu.memory_space<vmem>>
      %dma_wait3A_109 = arith.constant 0 : i32
      %dma_wait3A_110 = arith.constant 0 : i32
      %dma_wait3A_111 = tpu.memref_slice %arg2[%dma_wait3A_109, %dma_wait3A_110] : memref<10000x128xf32, #tpu.memory_space<hbm>> -> memref<10000x128xf32, #tpu.memory_space<hbm>>
      tpu.wait_indirect_dma semaphore(%arg16 : memref<!tpu.dma_semaphore, #tpu.memory_space<semaphore_mem>>) src(%dma_wait3A_111 : memref<10000x128xf32, #tpu.memory_space<hbm>>) dst(%arg11 : memref<125x128xf32, #tpu.memory_space<vmem>>)
      %dma_start3A_112 = arith.constant 0 : i32
      %dma_start3A_113 = tpu.memref_slice %arg10[%mul3A_106, %dma_start3A_112] : memref<40x125xi32, #tpu.memory_space<vmem>> -> memref<1x125xi32, #tpu.memory_space<vmem>>
      %dma_start3A_114 = tpu.memref_squeeze %dma_start3A_113 : memref<1x125xi32, #tpu.memory_space<vmem>> -> memref<125xi32, #tpu.memory_space<vmem>>
      %dma_start3A_115 = arith.constant 0 : i32
      %dma_start3A_116 = arith.constant 0 : i32
      %dma_start3A_117 = tpu.memref_slice %arg14[%dma_start3A_115, %dma_start3A_116] : memref<10112x128xf32, #tpu.memory_space<vmem_shared>> -> memref<10112x128xf32, #tpu.memory_space<vmem_shared>>
      tpu.enqueue_indirect_dma source(%arg11 : memref<125x128xf32, #tpu.memory_space<vmem>>) target(%dma_start3A_117 : memref<10112x128xf32, #tpu.memory_space<vmem_shared>>) offsets(%dma_start3A_114 : memref<125xi32, #tpu.memory_space<vmem>>) semaphore(%arg18 : memref<!tpu.dma_semaphore, #tpu.memory_space<semaphore_mem>>) {add = true}
      "tpu.region"() ({
        %run_scoped3A_155 = tpu.sem_alloc : memref<!tpu.dma_semaphore, #tpu.memory_space<semaphore_mem>>
        %dma_start3A_156 = arith.constant 0 : i32
        %dma_start3A_157 = tpu.memref_slice %arg13[%dma_start3A_156] : memref<128xf32, #tpu.memory_space<vmem>> -> memref<125xf32, #tpu.memory_space<vmem>>
        %dma_start3A_158 = arith.constant 0 : i32
        %dma_start3A_159 = tpu.memref_slice %arg10[%mul3A_106, %dma_start3A_158] : memref<40x125xi32, #tpu.memory_space<vmem>> -> memref<1x125xi32, #tpu.memory_space<vmem>>
        %dma_start3A_160 = tpu.memref_squeeze %dma_start3A_159 : memref<1x125xi32, #tpu.memory_space<vmem>> -> memref<125xi32, #tpu.memory_space<vmem>>
        %dma_start3A_161 = arith.constant 0 : i32
        %dma_start3A_162 = tpu.memref_slice %arg15[%dma_start3A_161] : memref<10240xf32, #tpu.memory_space<vmem_shared>> -> memref<10240xf32, #tpu.memory_space<vmem_shared>>
        tpu.enqueue_indirect_dma source(%dma_start3A_157 : memref<125xf32, #tpu.memory_space<vmem>>) target(%dma_start3A_162 : memref<10240xf32, #tpu.memory_space<vmem_shared>>) offsets(%dma_start3A_160 : memref<125xi32, #tpu.memory_space<vmem>>) semaphore(%run_scoped3A_155 : memref<!tpu.dma_semaphore, #tpu.memory_space<semaphore_mem>>) {add = true}
        %dma_wait3A_163 = arith.constant 0 : i32
        %dma_wait3A_164 = tpu.memref_slice %arg13[%dma_wait3A_163] : memref<128xf32, #tpu.memory_space<vmem>> -> memref<125xf32, #tpu.memory_space<vmem>>
        %dma_wait3A_165 = arith.constant 0 : i32
        %dma_wait3A_166 = tpu.memref_slice %arg10[%mul3A_106, %dma_wait3A_165] : memref<40x125xi32, #tpu.memory_space<vmem>> -> memref<1x125xi32, #tpu.memory_space<vmem>>
        %dma_wait3A_167 = tpu.memref_squeeze %dma_wait3A_166 : memref<1x125xi32, #tpu.memory_space<vmem>> -> memref<125xi32, #tpu.memory_space<vmem>>
        %dma_wait3A_168 = arith.constant 0 : i32
        %dma_wait3A_169 = tpu.memref_slice %arg15[%dma_wait3A_168] : memref<10240xf32, #tpu.memory_space<vmem_shared>> -> memref<10240xf32, #tpu.memory_space<vmem_shared>>
        tpu.wait_indirect_dma semaphore(%run_scoped3A_155 : memref<!tpu.dma_semaphore, #tpu.memory_space<semaphore_mem>>) src(%dma_wait3A_164 : memref<125xf32, #tpu.memory_space<vmem>>) dst(%dma_wait3A_169 : memref<10240xf32, #tpu.memory_space<vmem_shared>>)
        tpu.yield
      }) : () -> ()
      %add3A_118 = arith.constant 1 : i32
      %add3A_119 = arith.addi %mul3A_106, %add3A_118 : i32
      %dma_wait3A_120 = arith.constant 0 : i32
      %dma_wait3A_121 = tpu.memref_slice %arg9[%add3A_119, %dma_wait3A_120] : memref<40x125xi32, #tpu.memory_space<vmem>> -> memref<1x125xi32, #tpu.memory_space<vmem>>
      %dma_wait3A_122 = tpu.memref_squeeze %dma_wait3A_121 : memref<1x125xi32, #tpu.memory_space<vmem>> -> memref<125xi32, #tpu.memory_space<vmem>>
      %dma_wait3A_123 = arith.constant 0 : i32
      %dma_wait3A_124 = arith.constant 0 : i32
      %dma_wait3A_125 = tpu.memref_slice %arg2[%dma_wait3A_123, %dma_wait3A_124] : memref<10000x128xf32, #tpu.memory_space<hbm>> -> memref<10000x128xf32, #tpu.memory_space<hbm>>
      tpu.wait_indirect_dma semaphore(%arg17 : memref<!tpu.dma_semaphore, #tpu.memory_space<semaphore_mem>>) src(%dma_wait3A_125 : memref<10000x128xf32, #tpu.memory_space<hbm>>) dst(%arg12 : memref<125x128xf32, #tpu.memory_space<vmem>>)
      %add3A_126 = arith.constant 1 : i32
      %add3A_127 = arith.addi %mul3A_106, %add3A_126 : i32
      %dma_start3A_128 = arith.constant 0 : i32
      %dma_start3A_129 = tpu.memref_slice %arg10[%add3A_127, %dma_start3A_128] : memref<40x125xi32, #tpu.memory_space<vmem>> -> memref<1x125xi32, #tpu.memory_space<vmem>>
      %dma_start3A_130 = tpu.memref_squeeze %dma_start3A_129 : memref<1x125xi32, #tpu.memory_space<vmem>> -> memref<125xi32, #tpu.memory_space<vmem>>
      %dma_start3A_131 = arith.constant 0 : i32
      %dma_start3A_132 = arith.constant 0 : i32
      %dma_start3A_133 = tpu.memref_slice %arg14[%dma_start3A_131, %dma_start3A_132] : memref<10112x128xf32, #tpu.memory_space<vmem_shared>> -> memref<10112x128xf32, #tpu.memory_space<vmem_shared>>
      tpu.enqueue_indirect_dma source(%arg12 : memref<125x128xf32, #tpu.memory_space<vmem>>) target(%dma_start3A_133 : memref<10112x128xf32, #tpu.memory_space<vmem_shared>>) offsets(%dma_start3A_130 : memref<125xi32, #tpu.memory_space<vmem>>) semaphore(%arg19 : memref<!tpu.dma_semaphore, #tpu.memory_space<semaphore_mem>>) {add = true}
      %add3A_134 = arith.constant 1 : i32
      %add3A_135 = arith.addi %mul3A_106, %add3A_134 : i32
      "tpu.region"() ({
        %run_scoped3A_155 = tpu.sem_alloc : memref<!tpu.dma_semaphore, #tpu.memory_space<semaphore_mem>>
        %dma_start3A_156 = arith.constant 0 : i32
        %dma_start3A_157 = tpu.memref_slice %arg13[%dma_start3A_156] : memref<128xf32, #tpu.memory_space<vmem>> -> memref<125xf32, #tpu.memory_space<vmem>>
        %dma_start3A_158 = arith.constant 0 : i32
        %dma_start3A_159 = tpu.memref_slice %arg10[%add3A_135, %dma_start3A_158] : memref<40x125xi32, #tpu.memory_space<vmem>> -> memref<1x125xi32, #tpu.memory_space<vmem>>
        %dma_start3A_160 = tpu.memref_squeeze %dma_start3A_159 : memref<1x125xi32, #tpu.memory_space<vmem>> -> memref<125xi32, #tpu.memory_space<vmem>>
        %dma_start3A_161 = arith.constant 0 : i32
        %dma_start3A_162 = tpu.memref_slice %arg15[%dma_start3A_161] : memref<10240xf32, #tpu.memory_space<vmem_shared>> -> memref<10240xf32, #tpu.memory_space<vmem_shared>>
        tpu.enqueue_indirect_dma source(%dma_start3A_157 : memref<125xf32, #tpu.memory_space<vmem>>) target(%dma_start3A_162 : memref<10240xf32, #tpu.memory_space<vmem_shared>>) offsets(%dma_start3A_160 : memref<125xi32, #tpu.memory_space<vmem>>) semaphore(%run_scoped3A_155 : memref<!tpu.dma_semaphore, #tpu.memory_space<semaphore_mem>>) {add = true}
        %dma_wait3A_163 = arith.constant 0 : i32
        %dma_wait3A_164 = tpu.memref_slice %arg13[%dma_wait3A_163] : memref<128xf32, #tpu.memory_space<vmem>> -> memref<125xf32, #tpu.memory_space<vmem>>
        %dma_wait3A_165 = arith.constant 0 : i32
        %dma_wait3A_166 = tpu.memref_slice %arg10[%add3A_135, %dma_wait3A_165] : memref<40x125xi32, #tpu.memory_space<vmem>> -> memref<1x125xi32, #tpu.memory_space<vmem>>
        %dma_wait3A_167 = tpu.memref_squeeze %dma_wait3A_166 : memref<1x125xi32, #tpu.memory_space<vmem>> -> memref<125xi32, #tpu.memory_space<vmem>>
        %dma_wait3A_168 = arith.constant 0 : i32
        %dma_wait3A_169 = tpu.memref_slice %arg15[%dma_wait3A_168] : memref<10240xf32, #tpu.memory_space<vmem_shared>> -> memref<10240xf32, #tpu.memory_space<vmem_shared>>
        tpu.wait_indirect_dma semaphore(%run_scoped3A_155 : memref<!tpu.dma_semaphore, #tpu.memory_space<semaphore_mem>>) src(%dma_wait3A_164 : memref<125xf32, #tpu.memory_space<vmem>>) dst(%dma_wait3A_169 : memref<10240xf32, #tpu.memory_space<vmem_shared>>)
        tpu.yield
      }) : () -> ()
      %dma_wait3A_136 = arith.constant 0 : i32
      %dma_wait3A_137 = tpu.memref_slice %arg10[%mul3A_106, %dma_wait3A_136] : memref<40x125xi32, #tpu.memory_space<vmem>> -> memref<1x125xi32, #tpu.memory_space<vmem>>
      %dma_wait3A_138 = tpu.memref_squeeze %dma_wait3A_137 : memref<1x125xi32, #tpu.memory_space<vmem>> -> memref<125xi32, #tpu.memory_space<vmem>>
      %dma_wait3A_139 = arith.constant 0 : i32
      %dma_wait3A_140 = arith.constant 0 : i32
      %dma_wait3A_141 = tpu.memref_slice %arg14[%dma_wait3A_139, %dma_wait3A_140] : memref<10112x128xf32, #tpu.memory_space<vmem_shared>> -> memref<10112x128xf32, #tpu.memory_space<vmem_shared>>
      tpu.wait_indirect_dma semaphore(%arg18 : memref<!tpu.dma_semaphore, #tpu.memory_space<semaphore_mem>>) src(%arg11 : memref<125x128xf32, #tpu.memory_space<vmem>>) dst(%dma_wait3A_141 : memref<10112x128xf32, #tpu.memory_space<vmem_shared>>)
      %lt3A = arith.constant 19 : i32
      %lt3A_142 = arith.cmpi slt, %scan3A_104, %lt3A : i32
      %convert_element_type3A = arith.extui %lt3A_142 : i1 to i32
      %cond3A = arith.constant 0 : i32
      %cond3A_143 = arith.cmpi ne, %convert_element_type3A, %cond3A : i32
      scf.if %cond3A_143 {
        %add3A_155 = arith.constant 2 : i32
        %add3A_156 = arith.addi %mul3A_106, %add3A_155 : i32
        %dma_start3A_157 = arith.constant 0 : i32
        %dma_start3A_158 = tpu.memref_slice %arg9[%add3A_156, %dma_start3A_157] : memref<40x125xi32, #tpu.memory_space<vmem>> -> memref<1x125xi32, #tpu.memory_space<vmem>>
        %dma_start3A_159 = tpu.memref_squeeze %dma_start3A_158 : memref<1x125xi32, #tpu.memory_space<vmem>> -> memref<125xi32, #tpu.memory_space<vmem>>
        %dma_start3A_160 = arith.constant 0 : i32
        %dma_start3A_161 = arith.constant 0 : i32
        %dma_start3A_162 = tpu.memref_slice %arg2[%dma_start3A_160, %dma_start3A_161] : memref<10000x128xf32, #tpu.memory_space<hbm>> -> memref<10000x128xf32, #tpu.memory_space<hbm>>
        tpu.enqueue_indirect_dma source(%dma_start3A_162 : memref<10000x128xf32, #tpu.memory_space<hbm>>) target(%arg11 : memref<125x128xf32, #tpu.memory_space<vmem>>) offsets(%dma_start3A_159 : memref<125xi32, #tpu.memory_space<vmem>>) semaphore(%arg16 : memref<!tpu.dma_semaphore, #tpu.memory_space<semaphore_mem>>)
      } else {
      }
      %dma_wait3A_144 = arith.constant 0 : i32
      %dma_wait3A_145 = tpu.memref_slice %arg10[%add3A_127, %dma_wait3A_144] : memref<40x125xi32, #tpu.memory_space<vmem>> -> memref<1x125xi32, #tpu.memory_space<vmem>>
      %dma_wait3A_146 = tpu.memref_squeeze %dma_wait3A_145 : memref<1x125xi32, #tpu.memory_space<vmem>> -> memref<125xi32, #tpu.memory_space<vmem>>
      %dma_wait3A_147 = arith.constant 0 : i32
      %dma_wait3A_148 = arith.constant 0 : i32
      %dma_wait3A_149 = tpu.memref_slice %arg14[%dma_wait3A_147, %dma_wait3A_148] : memref<10112x128xf32, #tpu.memory_space<vmem_shared>> -> memref<10112x128xf32, #tpu.memory_space<vmem_shared>>
      tpu.wait_indirect_dma semaphore(%arg19 : memref<!tpu.dma_semaphore, #tpu.memory_space<semaphore_mem>>) src(%arg12 : memref<125x128xf32, #tpu.memory_space<vmem>>) dst(%dma_wait3A_149 : memref<10112x128xf32, #tpu.memory_space<vmem_shared>>)
      %lt3A_150 = arith.constant 19 : i32
      %lt3A_151 = arith.cmpi slt, %scan3A_104, %lt3A_150 : i32
      %convert_element_type3A_152 = arith.extui %lt3A_151 : i1 to i32
      %cond3A_153 = arith.constant 0 : i32
      %cond3A_154 = arith.cmpi ne, %convert_element_type3A_152, %cond3A_153 : i32
      scf.if %cond3A_154 {
        %add3A_155 = arith.constant 3 : i32
        %add3A_156 = arith.addi %mul3A_106, %add3A_155 : i32
        %dma_start3A_157 = arith.constant 0 : i32
        %dma_start3A_158 = tpu.memref_slice %arg9[%add3A_156, %dma_start3A_157] : memref<40x125xi32, #tpu.memory_space<vmem>> -> memref<1x125xi32, #tpu.memory_space<vmem>>
        %dma_start3A_159 = tpu.memref_squeeze %dma_start3A_158 : memref<1x125xi32, #tpu.memory_space<vmem>> -> memref<125xi32, #tpu.memory_space<vmem>>
        %dma_start3A_160 = arith.constant 0 : i32
        %dma_start3A_161 = arith.constant 0 : i32
        %dma_start3A_162 = tpu.memref_slice %arg2[%dma_start3A_160, %dma_start3A_161] : memref<10000x128xf32, #tpu.memory_space<hbm>> -> memref<10000x128xf32, #tpu.memory_space<hbm>>
        tpu.enqueue_indirect_dma source(%dma_start3A_162 : memref<10000x128xf32, #tpu.memory_space<hbm>>) target(%arg12 : memref<125x128xf32, #tpu.memory_space<vmem>>) offsets(%dma_start3A_159 : memref<125xi32, #tpu.memory_space<vmem>>) semaphore(%arg17 : memref<!tpu.dma_semaphore, #tpu.memory_space<semaphore_mem>>)
      } else {
      }
    }
    %scan3A_91 = arith.constant 20 : i32
    %barrier3A_92 = arith.constant 0 : index
    tpu.barrier barrier_id(%barrier3A_92)
    %mul3A_93 = arith.constant 632 : i32
    %mul3A_94 = arith.muli %arg1, %mul3A_93 : i32
    %mul3A_95 = arith.constant 632 : i32
    %mul3A_96 = arith.muli %arg1, %mul3A_95 : i32
    "tpu.region"() ({
      %run_scoped3A_104 = tpu.sem_alloc : memref<!tpu.dma_semaphore, #tpu.memory_space<semaphore_mem>>
      %dma_start3A_105 = arith.constant 0 : i32
      %dma_start3A_106 = tpu.memref_slice %arg7[%arg0, %mul3A_96, %dma_start3A_105] : memref<2x10112x128xf32, #tpu.memory_space<hbm>> -> memref<1x632x128xf32, #tpu.memory_space<hbm>>
      %dma_start3A_107 = tpu.memref_squeeze %dma_start3A_106 : memref<1x632x128xf32, #tpu.memory_space<hbm>> -> memref<632x128xf32, #tpu.memory_space<hbm>>
      %dma_start3A_108 = arith.constant 0 : i32
      %dma_start3A_109 = tpu.memref_slice %arg14[%mul3A_94, %dma_start3A_108] : memref<10112x128xf32, #tpu.memory_space<vmem_shared>> -> memref<632x128xf32, #tpu.memory_space<vmem_shared>>
      tpu.enqueue_dma source(%dma_start3A_109 : memref<632x128xf32, #tpu.memory_space<vmem_shared>>) target(%dma_start3A_107 : memref<632x128xf32, #tpu.memory_space<hbm>>) target_semaphore(%run_scoped3A_104 : memref<!tpu.dma_semaphore, #tpu.memory_space<semaphore_mem>>)
      %dma_wait3A = arith.constant 0 : i32
      %dma_wait3A_110 = tpu.memref_slice %arg7[%arg0, %mul3A_96, %dma_wait3A] : memref<2x10112x128xf32, #tpu.memory_space<hbm>> -> memref<1x632x128xf32, #tpu.memory_space<hbm>>
      %dma_wait3A_111 = tpu.memref_squeeze %dma_wait3A_110 : memref<1x632x128xf32, #tpu.memory_space<hbm>> -> memref<632x128xf32, #tpu.memory_space<hbm>>
      %dma_wait3A_112 = arith.constant 0 : i32
      %dma_wait3A_113 = tpu.memref_slice %arg14[%mul3A_94, %dma_wait3A_112] : memref<10112x128xf32, #tpu.memory_space<vmem_shared>> -> memref<632x128xf32, #tpu.memory_space<vmem_shared>>
      tpu.wait_dma2 semaphore(%run_scoped3A_104 : memref<!tpu.dma_semaphore, #tpu.memory_space<semaphore_mem>>) src(%dma_wait3A_113 : memref<632x128xf32, #tpu.memory_space<vmem_shared>>) dst(%dma_wait3A_111 : memref<632x128xf32, #tpu.memory_space<hbm>>)
      tpu.yield
    }) : () -> ()
    %mul3A_97 = arith.constant 640 : i32
    %mul3A_98 = arith.muli %arg1, %mul3A_97 : i32
    %mul3A_99 = arith.constant 10240 : i32
    %mul3A_100 = arith.muli %arg0, %mul3A_99 : i32
    %mul3A_101 = arith.constant 640 : i32
    %mul3A_102 = arith.muli %arg1, %mul3A_101 : i32
    %add3A_103 = arith.addi %mul3A_100, %mul3A_102 : i32
    "tpu.region"() ({
      %run_scoped3A_104 = tpu.sem_alloc : memref<!tpu.dma_semaphore, #tpu.memory_space<semaphore_mem>>
      %dma_start3A_105 = tpu.memref_slice %arg8[%add3A_103] : memref<20480xf32, #tpu.memory_space<hbm>> -> memref<640xf32, #tpu.memory_space<hbm>>
      %dma_start3A_106 = tpu.memref_slice %arg15[%mul3A_98] : memref<10240xf32, #tpu.memory_space<vmem_shared>> -> memref<640xf32, #tpu.memory_space<vmem_shared>>
      tpu.enqueue_dma source(%dma_start3A_106 : memref<640xf32, #tpu.memory_space<vmem_shared>>) target(%dma_start3A_105 : memref<640xf32, #tpu.memory_space<hbm>>) target_semaphore(%run_scoped3A_104 : memref<!tpu.dma_semaphore, #tpu.memory_space<semaphore_mem>>)
      %dma_wait3A = tpu.memref_slice %arg8[%add3A_103] : memref<20480xf32, #tpu.memory_space<hbm>> -> memref<640xf32, #tpu.memory_space<hbm>>
      %dma_wait3A_107 = tpu.memref_slice %arg15[%mul3A_98] : memref<10240xf32, #tpu.memory_space<vmem_shared>> -> memref<640xf32, #tpu.memory_space<vmem_shared>>
      tpu.wait_dma2 semaphore(%run_scoped3A_104 : memref<!tpu.dma_semaphore, #tpu.memory_space<semaphore_mem>>) src(%dma_wait3A_107 : memref<640xf32, #tpu.memory_space<vmem_shared>>) dst(%dma_wait3A : memref<640xf32, #tpu.memory_space<hbm>>)
      tpu.yield
    }) : () -> ()
    return
  }
}

#map = affine_map<(d0, d1) -> (0, 0)>
#map1 = affine_map<(d0, d1) -> (0, 0, 0, 0)>
#map2 = affine_map<(d0, d1) -> (0)>
#map3 = affine_map<(d0, d1) -> (0, 0, 0)>
module attributes {stable_mosaic.version = 14 : i64} {
  func.func @sc_pass(%arg0: i32, %arg1: i32, %arg2: memref<10000x128xf32, #tpu.memory_space<hbm>>, %arg3: memref<32x2x40x125xi32, #tpu.memory_space<hbm>>, %arg4: memref<32x2x40x125xi32, #tpu.memory_space<hbm>>, %arg5: memref<632x128xf32, #tpu.memory_space<hbm>>, %arg6: memref<640xf32, #tpu.memory_space<hbm>>, %arg7: memref<2x10112x128xf32, #tpu.memory_space<hbm>>, %arg8: memref<40x125xi32, #tpu.memory_space<vmem>>, %arg9: memref<40x125xi32, #tpu.memory_space<vmem>>, %arg10: memref<125x128xf32, #tpu.memory_space<vmem>>, %arg11: memref<125x128xf32, #tpu.memory_space<vmem>>, %arg12: memref<128xf32, #tpu.memory_space<vmem>>, %arg13: memref<10112x128xf32, #tpu.memory_space<vmem_shared>>, %arg14: memref<10240xf32, #tpu.memory_space<vmem_shared>>, %arg15: memref<!tpu.dma_semaphore, #tpu.memory_space<semaphore_mem>>, %arg16: memref<!tpu.dma_semaphore, #tpu.memory_space<semaphore_mem>>, %arg17: memref<!tpu.dma_semaphore, #tpu.memory_space<semaphore_mem>>, %arg18: memref<!tpu.dma_semaphore, #tpu.memory_space<semaphore_mem>>) attributes {dimension_semantics = [#tpu.dimension_semantics<core_parallel>, #tpu.dimension_semantics<subcore_parallel>], iteration_bounds = array<i64: 2, 16>, scalar_prefetch = 0 : i64, scratch_operands = 11 : i64, tpu.core_type = #tpu.core_type<sc_vector_subcore>, window_params = [{transform_indices = #map}, {transform_indices = #map1}, {transform_indices = #map1}, {transform_indices = #map}, {transform_indices = #map2}, {transform_indices = #map3}]} {
    %mul3A = arith.constant 16 : i32
    %mul3A_0 = arith.muli %arg0, %mul3A : i32
    %add3A = arith.addi %mul3A_0, %arg1 : i32
    %mul3A_1 = arith.constant 632 : i32
    %mul3A_2 = arith.muli %arg1, %mul3A_1 : i32
    "tpu.region"() ({
      %run_scoped3A_49 = tpu.sem_alloc : memref<!tpu.dma_semaphore, #tpu.memory_space<semaphore_mem>>
      %dma_start3A_50 = arith.constant 0 : i32
      %dma_start3A_51 = tpu.memref_slice %arg13[%mul3A_2, %dma_start3A_50] : memref<10112x128xf32, #tpu.memory_space<vmem_shared>> -> memref<632x128xf32, #tpu.memory_space<vmem_shared>>
      tpu.enqueue_dma source(%arg5 : memref<632x128xf32, #tpu.memory_space<hbm>>) target(%dma_start3A_51 : memref<632x128xf32, #tpu.memory_space<vmem_shared>>) target_semaphore(%run_scoped3A_49 : memref<!tpu.dma_semaphore, #tpu.memory_space<semaphore_mem>>)
      %dma_wait3A = arith.constant 0 : i32
      %dma_wait3A_52 = tpu.memref_slice %arg13[%mul3A_2, %dma_wait3A] : memref<10112x128xf32, #tpu.memory_space<vmem_shared>> -> memref<632x128xf32, #tpu.memory_space<vmem_shared>>
      tpu.wait_dma2 semaphore(%run_scoped3A_49 : memref<!tpu.dma_semaphore, #tpu.memory_space<semaphore_mem>>) src(%arg5 : memref<632x128xf32, #tpu.memory_space<hbm>>) dst(%dma_wait3A_52 : memref<632x128xf32, #tpu.memory_space<vmem_shared>>)
      tpu.yield
    }) : () -> ()
    %barrier3A = arith.constant 0 : index
    tpu.barrier barrier_id(%barrier3A)
    %run_scoped3A = arith.constant 0 : i32
    "tpu.region"() ({
      %run_scoped3A_49 = tpu.sem_alloc : memref<!tpu.dma_semaphore, #tpu.memory_space<semaphore_mem>>
      %dma_start3A_50 = arith.constant 0 : i32
      %dma_start3A_51 = arith.constant 0 : i32
      %dma_start3A_52 = tpu.memref_slice %arg3[%add3A, %run_scoped3A, %dma_start3A_50, %dma_start3A_51] : memref<32x2x40x125xi32, #tpu.memory_space<hbm>> -> memref<1x1x40x125xi32, #tpu.memory_space<hbm>>
      %dma_start3A_53 = tpu.memref_squeeze %dma_start3A_52 : memref<1x1x40x125xi32, #tpu.memory_space<hbm>> -> memref<40x125xi32, #tpu.memory_space<hbm>>
      %dma_start3A_54 = arith.constant 0 : i32
      %dma_start3A_55 = arith.constant 0 : i32
      %dma_start3A_56 = tpu.memref_slice %arg3[%add3A, %run_scoped3A, %dma_start3A_54, %dma_start3A_55] : memref<32x2x40x125xi32, #tpu.memory_space<hbm>> -> memref<1x1x40x125xi32, #tpu.memory_space<hbm>>
      %dma_start3A_57 = tpu.memref_squeeze %dma_start3A_56 : memref<1x1x40x125xi32, #tpu.memory_space<hbm>> -> memref<40x125xi32, #tpu.memory_space<hbm>>
      tpu.enqueue_dma source(%dma_start3A_57 : memref<40x125xi32, #tpu.memory_space<hbm>>) target(%arg8 : memref<40x125xi32, #tpu.memory_space<vmem>>) target_semaphore(%run_scoped3A_49 : memref<!tpu.dma_semaphore, #tpu.memory_space<semaphore_mem>>)
      %dma_wait3A = arith.constant 0 : i32
      %dma_wait3A_58 = arith.constant 0 : i32
      %dma_wait3A_59 = tpu.memref_slice %arg3[%add3A, %run_scoped3A, %dma_wait3A, %dma_wait3A_58] : memref<32x2x40x125xi32, #tpu.memory_space<hbm>> -> memref<1x1x40x125xi32, #tpu.memory_space<hbm>>
      %dma_wait3A_60 = tpu.memref_squeeze %dma_wait3A_59 : memref<1x1x40x125xi32, #tpu.memory_space<hbm>> -> memref<40x125xi32, #tpu.memory_space<hbm>>
      %dma_wait3A_61 = arith.constant 0 : i32
      %dma_wait3A_62 = arith.constant 0 : i32
      %dma_wait3A_63 = tpu.memref_slice %arg3[%add3A, %run_scoped3A, %dma_wait3A_61, %dma_wait3A_62] : memref<32x2x40x125xi32, #tpu.memory_space<hbm>> -> memref<1x1x40x125xi32, #tpu.memory_space<hbm>>
      %dma_wait3A_64 = tpu.memref_squeeze %dma_wait3A_63 : memref<1x1x40x125xi32, #tpu.memory_space<hbm>> -> memref<40x125xi32, #tpu.memory_space<hbm>>
      tpu.wait_dma2 semaphore(%run_scoped3A_49 : memref<!tpu.dma_semaphore, #tpu.memory_space<semaphore_mem>>) src(%dma_wait3A_64 : memref<40x125xi32, #tpu.memory_space<hbm>>) dst(%arg8 : memref<40x125xi32, #tpu.memory_space<vmem>>)
      tpu.yield
    }) : () -> ()
    %run_scoped3A_3 = arith.constant 0 : i32
    "tpu.region"() ({
      %run_scoped3A_49 = tpu.sem_alloc : memref<!tpu.dma_semaphore, #tpu.memory_space<semaphore_mem>>
      %dma_start3A_50 = arith.constant 0 : i32
      %dma_start3A_51 = arith.constant 0 : i32
      %dma_start3A_52 = tpu.memref_slice %arg4[%add3A, %run_scoped3A_3, %dma_start3A_50, %dma_start3A_51] : memref<32x2x40x125xi32, #tpu.memory_space<hbm>> -> memref<1x1x40x125xi32, #tpu.memory_space<hbm>>
      %dma_start3A_53 = tpu.memref_squeeze %dma_start3A_52 : memref<1x1x40x125xi32, #tpu.memory_space<hbm>> -> memref<40x125xi32, #tpu.memory_space<hbm>>
      %dma_start3A_54 = arith.constant 0 : i32
      %dma_start3A_55 = arith.constant 0 : i32
      %dma_start3A_56 = tpu.memref_slice %arg4[%add3A, %run_scoped3A_3, %dma_start3A_54, %dma_start3A_55] : memref<32x2x40x125xi32, #tpu.memory_space<hbm>> -> memref<1x1x40x125xi32, #tpu.memory_space<hbm>>
      %dma_start3A_57 = tpu.memref_squeeze %dma_start3A_56 : memref<1x1x40x125xi32, #tpu.memory_space<hbm>> -> memref<40x125xi32, #tpu.memory_space<hbm>>
      tpu.enqueue_dma source(%dma_start3A_57 : memref<40x125xi32, #tpu.memory_space<hbm>>) target(%arg9 : memref<40x125xi32, #tpu.memory_space<vmem>>) target_semaphore(%run_scoped3A_49 : memref<!tpu.dma_semaphore, #tpu.memory_space<semaphore_mem>>)
      %dma_wait3A = arith.constant 0 : i32
      %dma_wait3A_58 = arith.constant 0 : i32
      %dma_wait3A_59 = tpu.memref_slice %arg4[%add3A, %run_scoped3A_3, %dma_wait3A, %dma_wait3A_58] : memref<32x2x40x125xi32, #tpu.memory_space<hbm>> -> memref<1x1x40x125xi32, #tpu.memory_space<hbm>>
      %dma_wait3A_60 = tpu.memref_squeeze %dma_wait3A_59 : memref<1x1x40x125xi32, #tpu.memory_space<hbm>> -> memref<40x125xi32, #tpu.memory_space<hbm>>
      %dma_wait3A_61 = arith.constant 0 : i32
      %dma_wait3A_62 = arith.constant 0 : i32
      %dma_wait3A_63 = tpu.memref_slice %arg4[%add3A, %run_scoped3A_3, %dma_wait3A_61, %dma_wait3A_62] : memref<32x2x40x125xi32, #tpu.memory_space<hbm>> -> memref<1x1x40x125xi32, #tpu.memory_space<hbm>>
      %dma_wait3A_64 = tpu.memref_squeeze %dma_wait3A_63 : memref<1x1x40x125xi32, #tpu.memory_space<hbm>> -> memref<40x125xi32, #tpu.memory_space<hbm>>
      tpu.wait_dma2 semaphore(%run_scoped3A_49 : memref<!tpu.dma_semaphore, #tpu.memory_space<semaphore_mem>>) src(%dma_wait3A_64 : memref<40x125xi32, #tpu.memory_space<hbm>>) dst(%arg9 : memref<40x125xi32, #tpu.memory_space<vmem>>)
      tpu.yield
    }) : () -> ()
    %dma_start3A = arith.constant 0 : i32
    %dma_start3A_4 = arith.constant 0 : i32
    %dma_start3A_5 = tpu.memref_slice %arg8[%dma_start3A, %dma_start3A_4] : memref<40x125xi32, #tpu.memory_space<vmem>> -> memref<1x125xi32, #tpu.memory_space<vmem>>
    %dma_start3A_6 = tpu.memref_squeeze %dma_start3A_5 : memref<1x125xi32, #tpu.memory_space<vmem>> -> memref<125xi32, #tpu.memory_space<vmem>>
    %dma_start3A_7 = arith.constant 0 : i32
    %dma_start3A_8 = arith.constant 0 : i32
    %dma_start3A_9 = tpu.memref_slice %arg2[%dma_start3A_7, %dma_start3A_8] : memref<10000x128xf32, #tpu.memory_space<hbm>> -> memref<10000x128xf32, #tpu.memory_space<hbm>>
    tpu.enqueue_indirect_dma source(%dma_start3A_9 : memref<10000x128xf32, #tpu.memory_space<hbm>>) target(%arg10 : memref<125x128xf32, #tpu.memory_space<vmem>>) offsets(%dma_start3A_6 : memref<125xi32, #tpu.memory_space<vmem>>) semaphore(%arg15 : memref<!tpu.dma_semaphore, #tpu.memory_space<semaphore_mem>>)
    %dma_start3A_10 = arith.constant 1 : i32
    %dma_start3A_11 = arith.constant 0 : i32
    %dma_start3A_12 = tpu.memref_slice %arg8[%dma_start3A_10, %dma_start3A_11] : memref<40x125xi32, #tpu.memory_space<vmem>> -> memref<1x125xi32, #tpu.memory_space<vmem>>
    %dma_start3A_13 = tpu.memref_squeeze %dma_start3A_12 : memref<1x125xi32, #tpu.memory_space<vmem>> -> memref<125xi32, #tpu.memory_space<vmem>>
    %dma_start3A_14 = arith.constant 0 : i32
    %dma_start3A_15 = arith.constant 0 : i32
    %dma_start3A_16 = tpu.memref_slice %arg2[%dma_start3A_14, %dma_start3A_15] : memref<10000x128xf32, #tpu.memory_space<hbm>> -> memref<10000x128xf32, #tpu.memory_space<hbm>>
    tpu.enqueue_indirect_dma source(%dma_start3A_16 : memref<10000x128xf32, #tpu.memory_space<hbm>>) target(%arg11 : memref<125x128xf32, #tpu.memory_space<vmem>>) offsets(%dma_start3A_13 : memref<125xi32, #tpu.memory_space<vmem>>) semaphore(%arg16 : memref<!tpu.dma_semaphore, #tpu.memory_space<semaphore_mem>>)
    %scan3A = arith.constant 0 : i32
    %scan3A_17 = arith.constant 0 : i32
    %scan3A_18 = arith.constant 20 : i32
    %scan3A_19 = arith.addi %scan3A_17, %scan3A_18 : i32
    %scan3A_20 = arith.constant 1 : i32
    scf.for %scan3A_49 = %scan3A_17 to %scan3A_19 step %scan3A_20  : i32 {
      %mul3A_50 = arith.constant 2 : i32
      %mul3A_51 = arith.muli %mul3A_50, %scan3A_49 : i32
      %dma_wait3A = arith.constant 0 : i32
      %dma_wait3A_52 = tpu.memref_slice %arg8[%mul3A_51, %dma_wait3A] : memref<40x125xi32, #tpu.memory_space<vmem>> -> memref<1x125xi32, #tpu.memory_space<vmem>>
      %dma_wait3A_53 = tpu.memref_squeeze %dma_wait3A_52 : memref<1x125xi32, #tpu.memory_space<vmem>> -> memref<125xi32, #tpu.memory_space<vmem>>
      %dma_wait3A_54 = arith.constant 0 : i32
      %dma_wait3A_55 = arith.constant 0 : i32
      %dma_wait3A_56 = tpu.memref_slice %arg2[%dma_wait3A_54, %dma_wait3A_55] : memref<10000x128xf32, #tpu.memory_space<hbm>> -> memref<10000x128xf32, #tpu.memory_space<hbm>>
      tpu.wait_indirect_dma semaphore(%arg15 : memref<!tpu.dma_semaphore, #tpu.memory_space<semaphore_mem>>) src(%dma_wait3A_56 : memref<10000x128xf32, #tpu.memory_space<hbm>>) dst(%arg10 : memref<125x128xf32, #tpu.memory_space<vmem>>)
      %dma_start3A_57 = arith.constant 0 : i32
      %dma_start3A_58 = tpu.memref_slice %arg9[%mul3A_51, %dma_start3A_57] : memref<40x125xi32, #tpu.memory_space<vmem>> -> memref<1x125xi32, #tpu.memory_space<vmem>>
      %dma_start3A_59 = tpu.memref_squeeze %dma_start3A_58 : memref<1x125xi32, #tpu.memory_space<vmem>> -> memref<125xi32, #tpu.memory_space<vmem>>
      %dma_start3A_60 = arith.constant 0 : i32
      %dma_start3A_61 = arith.constant 0 : i32
      %dma_start3A_62 = tpu.memref_slice %arg13[%dma_start3A_60, %dma_start3A_61] : memref<10112x128xf32, #tpu.memory_space<vmem_shared>> -> memref<10112x128xf32, #tpu.memory_space<vmem_shared>>
      tpu.enqueue_indirect_dma source(%arg10 : memref<125x128xf32, #tpu.memory_space<vmem>>) target(%dma_start3A_62 : memref<10112x128xf32, #tpu.memory_space<vmem_shared>>) offsets(%dma_start3A_59 : memref<125xi32, #tpu.memory_space<vmem>>) semaphore(%arg17 : memref<!tpu.dma_semaphore, #tpu.memory_space<semaphore_mem>>) {add = true}
      %add3A_63 = arith.constant 1 : i32
      %add3A_64 = arith.addi %mul3A_51, %add3A_63 : i32
      %dma_wait3A_65 = arith.constant 0 : i32
      %dma_wait3A_66 = tpu.memref_slice %arg8[%add3A_64, %dma_wait3A_65] : memref<40x125xi32, #tpu.memory_space<vmem>> -> memref<1x125xi32, #tpu.memory_space<vmem>>
      %dma_wait3A_67 = tpu.memref_squeeze %dma_wait3A_66 : memref<1x125xi32, #tpu.memory_space<vmem>> -> memref<125xi32, #tpu.memory_space<vmem>>
      %dma_wait3A_68 = arith.constant 0 : i32
      %dma_wait3A_69 = arith.constant 0 : i32
      %dma_wait3A_70 = tpu.memref_slice %arg2[%dma_wait3A_68, %dma_wait3A_69] : memref<10000x128xf32, #tpu.memory_space<hbm>> -> memref<10000x128xf32, #tpu.memory_space<hbm>>
      tpu.wait_indirect_dma semaphore(%arg16 : memref<!tpu.dma_semaphore, #tpu.memory_space<semaphore_mem>>) src(%dma_wait3A_70 : memref<10000x128xf32, #tpu.memory_space<hbm>>) dst(%arg11 : memref<125x128xf32, #tpu.memory_space<vmem>>)
      %add3A_71 = arith.constant 1 : i32
      %add3A_72 = arith.addi %mul3A_51, %add3A_71 : i32
      %dma_start3A_73 = arith.constant 0 : i32
      %dma_start3A_74 = tpu.memref_slice %arg9[%add3A_72, %dma_start3A_73] : memref<40x125xi32, #tpu.memory_space<vmem>> -> memref<1x125xi32, #tpu.memory_space<vmem>>
      %dma_start3A_75 = tpu.memref_squeeze %dma_start3A_74 : memref<1x125xi32, #tpu.memory_space<vmem>> -> memref<125xi32, #tpu.memory_space<vmem>>
      %dma_start3A_76 = arith.constant 0 : i32
      %dma_start3A_77 = arith.constant 0 : i32
      %dma_start3A_78 = tpu.memref_slice %arg13[%dma_start3A_76, %dma_start3A_77] : memref<10112x128xf32, #tpu.memory_space<vmem_shared>> -> memref<10112x128xf32, #tpu.memory_space<vmem_shared>>
      tpu.enqueue_indirect_dma source(%arg11 : memref<125x128xf32, #tpu.memory_space<vmem>>) target(%dma_start3A_78 : memref<10112x128xf32, #tpu.memory_space<vmem_shared>>) offsets(%dma_start3A_75 : memref<125xi32, #tpu.memory_space<vmem>>) semaphore(%arg18 : memref<!tpu.dma_semaphore, #tpu.memory_space<semaphore_mem>>) {add = true}
      %dma_wait3A_79 = arith.constant 0 : i32
      %dma_wait3A_80 = tpu.memref_slice %arg9[%mul3A_51, %dma_wait3A_79] : memref<40x125xi32, #tpu.memory_space<vmem>> -> memref<1x125xi32, #tpu.memory_space<vmem>>
      %dma_wait3A_81 = tpu.memref_squeeze %dma_wait3A_80 : memref<1x125xi32, #tpu.memory_space<vmem>> -> memref<125xi32, #tpu.memory_space<vmem>>
      %dma_wait3A_82 = arith.constant 0 : i32
      %dma_wait3A_83 = arith.constant 0 : i32
      %dma_wait3A_84 = tpu.memref_slice %arg13[%dma_wait3A_82, %dma_wait3A_83] : memref<10112x128xf32, #tpu.memory_space<vmem_shared>> -> memref<10112x128xf32, #tpu.memory_space<vmem_shared>>
      tpu.wait_indirect_dma semaphore(%arg17 : memref<!tpu.dma_semaphore, #tpu.memory_space<semaphore_mem>>) src(%arg10 : memref<125x128xf32, #tpu.memory_space<vmem>>) dst(%dma_wait3A_84 : memref<10112x128xf32, #tpu.memory_space<vmem_shared>>)
      %lt3A = arith.constant 19 : i32
      %lt3A_85 = arith.cmpi slt, %scan3A_49, %lt3A : i32
      %convert_element_type3A = arith.extui %lt3A_85 : i1 to i32
      %cond3A = arith.constant 0 : i32
      %cond3A_86 = arith.cmpi ne, %convert_element_type3A, %cond3A : i32
      scf.if %cond3A_86 {
        %add3A_98 = arith.constant 2 : i32
        %add3A_99 = arith.addi %mul3A_51, %add3A_98 : i32
        %dma_start3A_100 = arith.constant 0 : i32
        %dma_start3A_101 = tpu.memref_slice %arg8[%add3A_99, %dma_start3A_100] : memref<40x125xi32, #tpu.memory_space<vmem>> -> memref<1x125xi32, #tpu.memory_space<vmem>>
        %dma_start3A_102 = tpu.memref_squeeze %dma_start3A_101 : memref<1x125xi32, #tpu.memory_space<vmem>> -> memref<125xi32, #tpu.memory_space<vmem>>
        %dma_start3A_103 = arith.constant 0 : i32
        %dma_start3A_104 = arith.constant 0 : i32
        %dma_start3A_105 = tpu.memref_slice %arg2[%dma_start3A_103, %dma_start3A_104] : memref<10000x128xf32, #tpu.memory_space<hbm>> -> memref<10000x128xf32, #tpu.memory_space<hbm>>
        tpu.enqueue_indirect_dma source(%dma_start3A_105 : memref<10000x128xf32, #tpu.memory_space<hbm>>) target(%arg10 : memref<125x128xf32, #tpu.memory_space<vmem>>) offsets(%dma_start3A_102 : memref<125xi32, #tpu.memory_space<vmem>>) semaphore(%arg15 : memref<!tpu.dma_semaphore, #tpu.memory_space<semaphore_mem>>)
      } else {
      }
      %dma_wait3A_87 = arith.constant 0 : i32
      %dma_wait3A_88 = tpu.memref_slice %arg9[%add3A_72, %dma_wait3A_87] : memref<40x125xi32, #tpu.memory_space<vmem>> -> memref<1x125xi32, #tpu.memory_space<vmem>>
      %dma_wait3A_89 = tpu.memref_squeeze %dma_wait3A_88 : memref<1x125xi32, #tpu.memory_space<vmem>> -> memref<125xi32, #tpu.memory_space<vmem>>
      %dma_wait3A_90 = arith.constant 0 : i32
      %dma_wait3A_91 = arith.constant 0 : i32
      %dma_wait3A_92 = tpu.memref_slice %arg13[%dma_wait3A_90, %dma_wait3A_91] : memref<10112x128xf32, #tpu.memory_space<vmem_shared>> -> memref<10112x128xf32, #tpu.memory_space<vmem_shared>>
      tpu.wait_indirect_dma semaphore(%arg18 : memref<!tpu.dma_semaphore, #tpu.memory_space<semaphore_mem>>) src(%arg11 : memref<125x128xf32, #tpu.memory_space<vmem>>) dst(%dma_wait3A_92 : memref<10112x128xf32, #tpu.memory_space<vmem_shared>>)
      %lt3A_93 = arith.constant 19 : i32
      %lt3A_94 = arith.cmpi slt, %scan3A_49, %lt3A_93 : i32
      %convert_element_type3A_95 = arith.extui %lt3A_94 : i1 to i32
      %cond3A_96 = arith.constant 0 : i32
      %cond3A_97 = arith.cmpi ne, %convert_element_type3A_95, %cond3A_96 : i32
      scf.if %cond3A_97 {
        %add3A_98 = arith.constant 3 : i32
        %add3A_99 = arith.addi %mul3A_51, %add3A_98 : i32
        %dma_start3A_100 = arith.constant 0 : i32
        %dma_start3A_101 = tpu.memref_slice %arg8[%add3A_99, %dma_start3A_100] : memref<40x125xi32, #tpu.memory_space<vmem>> -> memref<1x125xi32, #tpu.memory_space<vmem>>
        %dma_start3A_102 = tpu.memref_squeeze %dma_start3A_101 : memref<1x125xi32, #tpu.memory_space<vmem>> -> memref<125xi32, #tpu.memory_space<vmem>>
        %dma_start3A_103 = arith.constant 0 : i32
        %dma_start3A_104 = arith.constant 0 : i32
        %dma_start3A_105 = tpu.memref_slice %arg2[%dma_start3A_103, %dma_start3A_104] : memref<10000x128xf32, #tpu.memory_space<hbm>> -> memref<10000x128xf32, #tpu.memory_space<hbm>>
        tpu.enqueue_indirect_dma source(%dma_start3A_105 : memref<10000x128xf32, #tpu.memory_space<hbm>>) target(%arg11 : memref<125x128xf32, #tpu.memory_space<vmem>>) offsets(%dma_start3A_102 : memref<125xi32, #tpu.memory_space<vmem>>) semaphore(%arg16 : memref<!tpu.dma_semaphore, #tpu.memory_space<semaphore_mem>>)
      } else {
      }
    }
    %scan3A_21 = arith.constant 20 : i32
    %run_scoped3A_22 = arith.constant 1 : i32
    "tpu.region"() ({
      %run_scoped3A_49 = tpu.sem_alloc : memref<!tpu.dma_semaphore, #tpu.memory_space<semaphore_mem>>
      %dma_start3A_50 = arith.constant 0 : i32
      %dma_start3A_51 = arith.constant 0 : i32
      %dma_start3A_52 = tpu.memref_slice %arg3[%add3A, %run_scoped3A_22, %dma_start3A_50, %dma_start3A_51] : memref<32x2x40x125xi32, #tpu.memory_space<hbm>> -> memref<1x1x40x125xi32, #tpu.memory_space<hbm>>
      %dma_start3A_53 = tpu.memref_squeeze %dma_start3A_52 : memref<1x1x40x125xi32, #tpu.memory_space<hbm>> -> memref<40x125xi32, #tpu.memory_space<hbm>>
      %dma_start3A_54 = arith.constant 0 : i32
      %dma_start3A_55 = arith.constant 0 : i32
      %dma_start3A_56 = tpu.memref_slice %arg3[%add3A, %run_scoped3A_22, %dma_start3A_54, %dma_start3A_55] : memref<32x2x40x125xi32, #tpu.memory_space<hbm>> -> memref<1x1x40x125xi32, #tpu.memory_space<hbm>>
      %dma_start3A_57 = tpu.memref_squeeze %dma_start3A_56 : memref<1x1x40x125xi32, #tpu.memory_space<hbm>> -> memref<40x125xi32, #tpu.memory_space<hbm>>
      tpu.enqueue_dma source(%dma_start3A_57 : memref<40x125xi32, #tpu.memory_space<hbm>>) target(%arg8 : memref<40x125xi32, #tpu.memory_space<vmem>>) target_semaphore(%run_scoped3A_49 : memref<!tpu.dma_semaphore, #tpu.memory_space<semaphore_mem>>)
      %dma_wait3A = arith.constant 0 : i32
      %dma_wait3A_58 = arith.constant 0 : i32
      %dma_wait3A_59 = tpu.memref_slice %arg3[%add3A, %run_scoped3A_22, %dma_wait3A, %dma_wait3A_58] : memref<32x2x40x125xi32, #tpu.memory_space<hbm>> -> memref<1x1x40x125xi32, #tpu.memory_space<hbm>>
      %dma_wait3A_60 = tpu.memref_squeeze %dma_wait3A_59 : memref<1x1x40x125xi32, #tpu.memory_space<hbm>> -> memref<40x125xi32, #tpu.memory_space<hbm>>
      %dma_wait3A_61 = arith.constant 0 : i32
      %dma_wait3A_62 = arith.constant 0 : i32
      %dma_wait3A_63 = tpu.memref_slice %arg3[%add3A, %run_scoped3A_22, %dma_wait3A_61, %dma_wait3A_62] : memref<32x2x40x125xi32, #tpu.memory_space<hbm>> -> memref<1x1x40x125xi32, #tpu.memory_space<hbm>>
      %dma_wait3A_64 = tpu.memref_squeeze %dma_wait3A_63 : memref<1x1x40x125xi32, #tpu.memory_space<hbm>> -> memref<40x125xi32, #tpu.memory_space<hbm>>
      tpu.wait_dma2 semaphore(%run_scoped3A_49 : memref<!tpu.dma_semaphore, #tpu.memory_space<semaphore_mem>>) src(%dma_wait3A_64 : memref<40x125xi32, #tpu.memory_space<hbm>>) dst(%arg8 : memref<40x125xi32, #tpu.memory_space<vmem>>)
      tpu.yield
    }) : () -> ()
    %run_scoped3A_23 = arith.constant 1 : i32
    "tpu.region"() ({
      %run_scoped3A_49 = tpu.sem_alloc : memref<!tpu.dma_semaphore, #tpu.memory_space<semaphore_mem>>
      %dma_start3A_50 = arith.constant 0 : i32
      %dma_start3A_51 = arith.constant 0 : i32
      %dma_start3A_52 = tpu.memref_slice %arg4[%add3A, %run_scoped3A_23, %dma_start3A_50, %dma_start3A_51] : memref<32x2x40x125xi32, #tpu.memory_space<hbm>> -> memref<1x1x40x125xi32, #tpu.memory_space<hbm>>
      %dma_start3A_53 = tpu.memref_squeeze %dma_start3A_52 : memref<1x1x40x125xi32, #tpu.memory_space<hbm>> -> memref<40x125xi32, #tpu.memory_space<hbm>>
      %dma_start3A_54 = arith.constant 0 : i32
      %dma_start3A_55 = arith.constant 0 : i32
      %dma_start3A_56 = tpu.memref_slice %arg4[%add3A, %run_scoped3A_23, %dma_start3A_54, %dma_start3A_55] : memref<32x2x40x125xi32, #tpu.memory_space<hbm>> -> memref<1x1x40x125xi32, #tpu.memory_space<hbm>>
      %dma_start3A_57 = tpu.memref_squeeze %dma_start3A_56 : memref<1x1x40x125xi32, #tpu.memory_space<hbm>> -> memref<40x125xi32, #tpu.memory_space<hbm>>
      tpu.enqueue_dma source(%dma_start3A_57 : memref<40x125xi32, #tpu.memory_space<hbm>>) target(%arg9 : memref<40x125xi32, #tpu.memory_space<vmem>>) target_semaphore(%run_scoped3A_49 : memref<!tpu.dma_semaphore, #tpu.memory_space<semaphore_mem>>)
      %dma_wait3A = arith.constant 0 : i32
      %dma_wait3A_58 = arith.constant 0 : i32
      %dma_wait3A_59 = tpu.memref_slice %arg4[%add3A, %run_scoped3A_23, %dma_wait3A, %dma_wait3A_58] : memref<32x2x40x125xi32, #tpu.memory_space<hbm>> -> memref<1x1x40x125xi32, #tpu.memory_space<hbm>>
      %dma_wait3A_60 = tpu.memref_squeeze %dma_wait3A_59 : memref<1x1x40x125xi32, #tpu.memory_space<hbm>> -> memref<40x125xi32, #tpu.memory_space<hbm>>
      %dma_wait3A_61 = arith.constant 0 : i32
      %dma_wait3A_62 = arith.constant 0 : i32
      %dma_wait3A_63 = tpu.memref_slice %arg4[%add3A, %run_scoped3A_23, %dma_wait3A_61, %dma_wait3A_62] : memref<32x2x40x125xi32, #tpu.memory_space<hbm>> -> memref<1x1x40x125xi32, #tpu.memory_space<hbm>>
      %dma_wait3A_64 = tpu.memref_squeeze %dma_wait3A_63 : memref<1x1x40x125xi32, #tpu.memory_space<hbm>> -> memref<40x125xi32, #tpu.memory_space<hbm>>
      tpu.wait_dma2 semaphore(%run_scoped3A_49 : memref<!tpu.dma_semaphore, #tpu.memory_space<semaphore_mem>>) src(%dma_wait3A_64 : memref<40x125xi32, #tpu.memory_space<hbm>>) dst(%arg9 : memref<40x125xi32, #tpu.memory_space<vmem>>)
      tpu.yield
    }) : () -> ()
    %dma_start3A_24 = arith.constant 0 : i32
    %dma_start3A_25 = arith.constant 0 : i32
    %dma_start3A_26 = tpu.memref_slice %arg8[%dma_start3A_24, %dma_start3A_25] : memref<40x125xi32, #tpu.memory_space<vmem>> -> memref<1x125xi32, #tpu.memory_space<vmem>>
    %dma_start3A_27 = tpu.memref_squeeze %dma_start3A_26 : memref<1x125xi32, #tpu.memory_space<vmem>> -> memref<125xi32, #tpu.memory_space<vmem>>
    %dma_start3A_28 = arith.constant 0 : i32
    %dma_start3A_29 = arith.constant 0 : i32
    %dma_start3A_30 = tpu.memref_slice %arg2[%dma_start3A_28, %dma_start3A_29] : memref<10000x128xf32, #tpu.memory_space<hbm>> -> memref<10000x128xf32, #tpu.memory_space<hbm>>
    tpu.enqueue_indirect_dma source(%dma_start3A_30 : memref<10000x128xf32, #tpu.memory_space<hbm>>) target(%arg10 : memref<125x128xf32, #tpu.memory_space<vmem>>) offsets(%dma_start3A_27 : memref<125xi32, #tpu.memory_space<vmem>>) semaphore(%arg15 : memref<!tpu.dma_semaphore, #tpu.memory_space<semaphore_mem>>)
    %dma_start3A_31 = arith.constant 1 : i32
    %dma_start3A_32 = arith.constant 0 : i32
    %dma_start3A_33 = tpu.memref_slice %arg8[%dma_start3A_31, %dma_start3A_32] : memref<40x125xi32, #tpu.memory_space<vmem>> -> memref<1x125xi32, #tpu.memory_space<vmem>>
    %dma_start3A_34 = tpu.memref_squeeze %dma_start3A_33 : memref<1x125xi32, #tpu.memory_space<vmem>> -> memref<125xi32, #tpu.memory_space<vmem>>
    %dma_start3A_35 = arith.constant 0 : i32
    %dma_start3A_36 = arith.constant 0 : i32
    %dma_start3A_37 = tpu.memref_slice %arg2[%dma_start3A_35, %dma_start3A_36] : memref<10000x128xf32, #tpu.memory_space<hbm>> -> memref<10000x128xf32, #tpu.memory_space<hbm>>
    tpu.enqueue_indirect_dma source(%dma_start3A_37 : memref<10000x128xf32, #tpu.memory_space<hbm>>) target(%arg11 : memref<125x128xf32, #tpu.memory_space<vmem>>) offsets(%dma_start3A_34 : memref<125xi32, #tpu.memory_space<vmem>>) semaphore(%arg16 : memref<!tpu.dma_semaphore, #tpu.memory_space<semaphore_mem>>)
    %scan3A_38 = arith.constant 0 : i32
    %scan3A_39 = arith.constant 0 : i32
    %scan3A_40 = arith.constant 20 : i32
    %scan3A_41 = arith.addi %scan3A_39, %scan3A_40 : i32
    %scan3A_42 = arith.constant 1 : i32
    scf.for %scan3A_49 = %scan3A_39 to %scan3A_41 step %scan3A_42  : i32 {
      %mul3A_50 = arith.constant 2 : i32
      %mul3A_51 = arith.muli %mul3A_50, %scan3A_49 : i32
      %dma_wait3A = arith.constant 0 : i32
      %dma_wait3A_52 = tpu.memref_slice %arg8[%mul3A_51, %dma_wait3A] : memref<40x125xi32, #tpu.memory_space<vmem>> -> memref<1x125xi32, #tpu.memory_space<vmem>>
      %dma_wait3A_53 = tpu.memref_squeeze %dma_wait3A_52 : memref<1x125xi32, #tpu.memory_space<vmem>> -> memref<125xi32, #tpu.memory_space<vmem>>
      %dma_wait3A_54 = arith.constant 0 : i32
      %dma_wait3A_55 = arith.constant 0 : i32
      %dma_wait3A_56 = tpu.memref_slice %arg2[%dma_wait3A_54, %dma_wait3A_55] : memref<10000x128xf32, #tpu.memory_space<hbm>> -> memref<10000x128xf32, #tpu.memory_space<hbm>>
      tpu.wait_indirect_dma semaphore(%arg15 : memref<!tpu.dma_semaphore, #tpu.memory_space<semaphore_mem>>) src(%dma_wait3A_56 : memref<10000x128xf32, #tpu.memory_space<hbm>>) dst(%arg10 : memref<125x128xf32, #tpu.memory_space<vmem>>)
      %dma_start3A_57 = arith.constant 0 : i32
      %dma_start3A_58 = tpu.memref_slice %arg9[%mul3A_51, %dma_start3A_57] : memref<40x125xi32, #tpu.memory_space<vmem>> -> memref<1x125xi32, #tpu.memory_space<vmem>>
      %dma_start3A_59 = tpu.memref_squeeze %dma_start3A_58 : memref<1x125xi32, #tpu.memory_space<vmem>> -> memref<125xi32, #tpu.memory_space<vmem>>
      %dma_start3A_60 = arith.constant 0 : i32
      %dma_start3A_61 = arith.constant 0 : i32
      %dma_start3A_62 = tpu.memref_slice %arg13[%dma_start3A_60, %dma_start3A_61] : memref<10112x128xf32, #tpu.memory_space<vmem_shared>> -> memref<10112x128xf32, #tpu.memory_space<vmem_shared>>
      tpu.enqueue_indirect_dma source(%arg10 : memref<125x128xf32, #tpu.memory_space<vmem>>) target(%dma_start3A_62 : memref<10112x128xf32, #tpu.memory_space<vmem_shared>>) offsets(%dma_start3A_59 : memref<125xi32, #tpu.memory_space<vmem>>) semaphore(%arg17 : memref<!tpu.dma_semaphore, #tpu.memory_space<semaphore_mem>>) {add = true}
      %add3A_63 = arith.constant 1 : i32
      %add3A_64 = arith.addi %mul3A_51, %add3A_63 : i32
      %dma_wait3A_65 = arith.constant 0 : i32
      %dma_wait3A_66 = tpu.memref_slice %arg8[%add3A_64, %dma_wait3A_65] : memref<40x125xi32, #tpu.memory_space<vmem>> -> memref<1x125xi32, #tpu.memory_space<vmem>>
      %dma_wait3A_67 = tpu.memref_squeeze %dma_wait3A_66 : memref<1x125xi32, #tpu.memory_space<vmem>> -> memref<125xi32, #tpu.memory_space<vmem>>
      %dma_wait3A_68 = arith.constant 0 : i32
      %dma_wait3A_69 = arith.constant 0 : i32
      %dma_wait3A_70 = tpu.memref_slice %arg2[%dma_wait3A_68, %dma_wait3A_69] : memref<10000x128xf32, #tpu.memory_space<hbm>> -> memref<10000x128xf32, #tpu.memory_space<hbm>>
      tpu.wait_indirect_dma semaphore(%arg16 : memref<!tpu.dma_semaphore, #tpu.memory_space<semaphore_mem>>) src(%dma_wait3A_70 : memref<10000x128xf32, #tpu.memory_space<hbm>>) dst(%arg11 : memref<125x128xf32, #tpu.memory_space<vmem>>)
      %add3A_71 = arith.constant 1 : i32
      %add3A_72 = arith.addi %mul3A_51, %add3A_71 : i32
      %dma_start3A_73 = arith.constant 0 : i32
      %dma_start3A_74 = tpu.memref_slice %arg9[%add3A_72, %dma_start3A_73] : memref<40x125xi32, #tpu.memory_space<vmem>> -> memref<1x125xi32, #tpu.memory_space<vmem>>
      %dma_start3A_75 = tpu.memref_squeeze %dma_start3A_74 : memref<1x125xi32, #tpu.memory_space<vmem>> -> memref<125xi32, #tpu.memory_space<vmem>>
      %dma_start3A_76 = arith.constant 0 : i32
      %dma_start3A_77 = arith.constant 0 : i32
      %dma_start3A_78 = tpu.memref_slice %arg13[%dma_start3A_76, %dma_start3A_77] : memref<10112x128xf32, #tpu.memory_space<vmem_shared>> -> memref<10112x128xf32, #tpu.memory_space<vmem_shared>>
      tpu.enqueue_indirect_dma source(%arg11 : memref<125x128xf32, #tpu.memory_space<vmem>>) target(%dma_start3A_78 : memref<10112x128xf32, #tpu.memory_space<vmem_shared>>) offsets(%dma_start3A_75 : memref<125xi32, #tpu.memory_space<vmem>>) semaphore(%arg18 : memref<!tpu.dma_semaphore, #tpu.memory_space<semaphore_mem>>) {add = true}
      %dma_wait3A_79 = arith.constant 0 : i32
      %dma_wait3A_80 = tpu.memref_slice %arg9[%mul3A_51, %dma_wait3A_79] : memref<40x125xi32, #tpu.memory_space<vmem>> -> memref<1x125xi32, #tpu.memory_space<vmem>>
      %dma_wait3A_81 = tpu.memref_squeeze %dma_wait3A_80 : memref<1x125xi32, #tpu.memory_space<vmem>> -> memref<125xi32, #tpu.memory_space<vmem>>
      %dma_wait3A_82 = arith.constant 0 : i32
      %dma_wait3A_83 = arith.constant 0 : i32
      %dma_wait3A_84 = tpu.memref_slice %arg13[%dma_wait3A_82, %dma_wait3A_83] : memref<10112x128xf32, #tpu.memory_space<vmem_shared>> -> memref<10112x128xf32, #tpu.memory_space<vmem_shared>>
      tpu.wait_indirect_dma semaphore(%arg17 : memref<!tpu.dma_semaphore, #tpu.memory_space<semaphore_mem>>) src(%arg10 : memref<125x128xf32, #tpu.memory_space<vmem>>) dst(%dma_wait3A_84 : memref<10112x128xf32, #tpu.memory_space<vmem_shared>>)
      %lt3A = arith.constant 19 : i32
      %lt3A_85 = arith.cmpi slt, %scan3A_49, %lt3A : i32
      %convert_element_type3A = arith.extui %lt3A_85 : i1 to i32
      %cond3A = arith.constant 0 : i32
      %cond3A_86 = arith.cmpi ne, %convert_element_type3A, %cond3A : i32
      scf.if %cond3A_86 {
        %add3A_98 = arith.constant 2 : i32
        %add3A_99 = arith.addi %mul3A_51, %add3A_98 : i32
        %dma_start3A_100 = arith.constant 0 : i32
        %dma_start3A_101 = tpu.memref_slice %arg8[%add3A_99, %dma_start3A_100] : memref<40x125xi32, #tpu.memory_space<vmem>> -> memref<1x125xi32, #tpu.memory_space<vmem>>
        %dma_start3A_102 = tpu.memref_squeeze %dma_start3A_101 : memref<1x125xi32, #tpu.memory_space<vmem>> -> memref<125xi32, #tpu.memory_space<vmem>>
        %dma_start3A_103 = arith.constant 0 : i32
        %dma_start3A_104 = arith.constant 0 : i32
        %dma_start3A_105 = tpu.memref_slice %arg2[%dma_start3A_103, %dma_start3A_104] : memref<10000x128xf32, #tpu.memory_space<hbm>> -> memref<10000x128xf32, #tpu.memory_space<hbm>>
        tpu.enqueue_indirect_dma source(%dma_start3A_105 : memref<10000x128xf32, #tpu.memory_space<hbm>>) target(%arg10 : memref<125x128xf32, #tpu.memory_space<vmem>>) offsets(%dma_start3A_102 : memref<125xi32, #tpu.memory_space<vmem>>) semaphore(%arg15 : memref<!tpu.dma_semaphore, #tpu.memory_space<semaphore_mem>>)
      } else {
      }
      %dma_wait3A_87 = arith.constant 0 : i32
      %dma_wait3A_88 = tpu.memref_slice %arg9[%add3A_72, %dma_wait3A_87] : memref<40x125xi32, #tpu.memory_space<vmem>> -> memref<1x125xi32, #tpu.memory_space<vmem>>
      %dma_wait3A_89 = tpu.memref_squeeze %dma_wait3A_88 : memref<1x125xi32, #tpu.memory_space<vmem>> -> memref<125xi32, #tpu.memory_space<vmem>>
      %dma_wait3A_90 = arith.constant 0 : i32
      %dma_wait3A_91 = arith.constant 0 : i32
      %dma_wait3A_92 = tpu.memref_slice %arg13[%dma_wait3A_90, %dma_wait3A_91] : memref<10112x128xf32, #tpu.memory_space<vmem_shared>> -> memref<10112x128xf32, #tpu.memory_space<vmem_shared>>
      tpu.wait_indirect_dma semaphore(%arg18 : memref<!tpu.dma_semaphore, #tpu.memory_space<semaphore_mem>>) src(%arg11 : memref<125x128xf32, #tpu.memory_space<vmem>>) dst(%dma_wait3A_92 : memref<10112x128xf32, #tpu.memory_space<vmem_shared>>)
      %lt3A_93 = arith.constant 19 : i32
      %lt3A_94 = arith.cmpi slt, %scan3A_49, %lt3A_93 : i32
      %convert_element_type3A_95 = arith.extui %lt3A_94 : i1 to i32
      %cond3A_96 = arith.constant 0 : i32
      %cond3A_97 = arith.cmpi ne, %convert_element_type3A_95, %cond3A_96 : i32
      scf.if %cond3A_97 {
        %add3A_98 = arith.constant 3 : i32
        %add3A_99 = arith.addi %mul3A_51, %add3A_98 : i32
        %dma_start3A_100 = arith.constant 0 : i32
        %dma_start3A_101 = tpu.memref_slice %arg8[%add3A_99, %dma_start3A_100] : memref<40x125xi32, #tpu.memory_space<vmem>> -> memref<1x125xi32, #tpu.memory_space<vmem>>
        %dma_start3A_102 = tpu.memref_squeeze %dma_start3A_101 : memref<1x125xi32, #tpu.memory_space<vmem>> -> memref<125xi32, #tpu.memory_space<vmem>>
        %dma_start3A_103 = arith.constant 0 : i32
        %dma_start3A_104 = arith.constant 0 : i32
        %dma_start3A_105 = tpu.memref_slice %arg2[%dma_start3A_103, %dma_start3A_104] : memref<10000x128xf32, #tpu.memory_space<hbm>> -> memref<10000x128xf32, #tpu.memory_space<hbm>>
        tpu.enqueue_indirect_dma source(%dma_start3A_105 : memref<10000x128xf32, #tpu.memory_space<hbm>>) target(%arg11 : memref<125x128xf32, #tpu.memory_space<vmem>>) offsets(%dma_start3A_102 : memref<125xi32, #tpu.memory_space<vmem>>) semaphore(%arg16 : memref<!tpu.dma_semaphore, #tpu.memory_space<semaphore_mem>>)
      } else {
      }
    }
    %scan3A_43 = arith.constant 20 : i32
    %barrier3A_44 = arith.constant 0 : index
    tpu.barrier barrier_id(%barrier3A_44)
    %mul3A_45 = arith.constant 632 : i32
    %mul3A_46 = arith.muli %arg1, %mul3A_45 : i32
    %mul3A_47 = arith.constant 632 : i32
    %mul3A_48 = arith.muli %arg1, %mul3A_47 : i32
    "tpu.region"() ({
      %run_scoped3A_49 = tpu.sem_alloc : memref<!tpu.dma_semaphore, #tpu.memory_space<semaphore_mem>>
      %dma_start3A_50 = arith.constant 0 : i32
      %dma_start3A_51 = tpu.memref_slice %arg7[%arg0, %mul3A_48, %dma_start3A_50] : memref<2x10112x128xf32, #tpu.memory_space<hbm>> -> memref<1x632x128xf32, #tpu.memory_space<hbm>>
      %dma_start3A_52 = tpu.memref_squeeze %dma_start3A_51 : memref<1x632x128xf32, #tpu.memory_space<hbm>> -> memref<632x128xf32, #tpu.memory_space<hbm>>
      %dma_start3A_53 = arith.constant 0 : i32
      %dma_start3A_54 = tpu.memref_slice %arg13[%mul3A_46, %dma_start3A_53] : memref<10112x128xf32, #tpu.memory_space<vmem_shared>> -> memref<632x128xf32, #tpu.memory_space<vmem_shared>>
      tpu.enqueue_dma source(%dma_start3A_54 : memref<632x128xf32, #tpu.memory_space<vmem_shared>>) target(%dma_start3A_52 : memref<632x128xf32, #tpu.memory_space<hbm>>) target_semaphore(%run_scoped3A_49 : memref<!tpu.dma_semaphore, #tpu.memory_space<semaphore_mem>>)
      %dma_wait3A = arith.constant 0 : i32
      %dma_wait3A_55 = tpu.memref_slice %arg7[%arg0, %mul3A_48, %dma_wait3A] : memref<2x10112x128xf32, #tpu.memory_space<hbm>> -> memref<1x632x128xf32, #tpu.memory_space<hbm>>
      %dma_wait3A_56 = tpu.memref_squeeze %dma_wait3A_55 : memref<1x632x128xf32, #tpu.memory_space<hbm>> -> memref<632x128xf32, #tpu.memory_space<hbm>>
      %dma_wait3A_57 = arith.constant 0 : i32
      %dma_wait3A_58 = tpu.memref_slice %arg13[%mul3A_46, %dma_wait3A_57] : memref<10112x128xf32, #tpu.memory_space<vmem_shared>> -> memref<632x128xf32, #tpu.memory_space<vmem_shared>>
      tpu.wait_dma2 semaphore(%run_scoped3A_49 : memref<!tpu.dma_semaphore, #tpu.memory_space<semaphore_mem>>) src(%dma_wait3A_58 : memref<632x128xf32, #tpu.memory_space<vmem_shared>>) dst(%dma_wait3A_56 : memref<632x128xf32, #tpu.memory_space<hbm>>)
      tpu.yield
    }) : () -> ()
    return
  }
}

module attributes {stable_mosaic.version = 14 : i64} {
  func.func @_combine_body(%arg0: i32, %arg1: memref<2x1000x128xf32, #tpu.memory_space<vmem>>, %arg2: memref<2x1000x1xf32, #tpu.memory_space<vmem>>, %arg3: memref<1000x128xf32, #tpu.memory_space<vmem>>, %arg4: memref<128x128xf32, #tpu.memory_space<vmem>>, %arg5: memref<1x128xf32, #tpu.memory_space<vmem>>, %arg6: memref<128x128xf32, #tpu.memory_space<vmem>>, %arg7: memref<1x128xf32, #tpu.memory_space<vmem>>, %arg8: memref<1x128xf32, #tpu.memory_space<vmem>>, %arg9: memref<1x128xf32, #tpu.memory_space<vmem>>, %arg10: memref<1x128xf32, #tpu.memory_space<vmem>>, %arg11: memref<1000x128xf32, #tpu.memory_space<vmem>>) attributes {dimension_semantics = [#tpu.dimension_semantics<arbitrary>], iteration_bounds = array<i64: 10>, scalar_prefetch = 0 : i64, scratch_operands = 0 : i64, tpu.core_type = #tpu.core_type<tc>, window_params = [{transform_indices = @transform_0, window_bounds = array<i64: 2, 1000, 128>}, {transform_indices = @transform_1, window_bounds = array<i64: 2, 1000, 1>}, {transform_indices = @transform_2, window_bounds = array<i64: 1000, 128>}, {pipeline_mode = #tpu.pipeline_mode<synchronous>, transform_indices = @transform_3, window_bounds = array<i64: 128, 128>}, {pipeline_mode = #tpu.pipeline_mode<synchronous>, transform_indices = @transform_4, window_bounds = array<i64: 1, 128>}, {pipeline_mode = #tpu.pipeline_mode<synchronous>, transform_indices = @transform_5, window_bounds = array<i64: 128, 128>}, {pipeline_mode = #tpu.pipeline_mode<synchronous>, transform_indices = @transform_6, window_bounds = array<i64: 1, 128>}, {pipeline_mode = #tpu.pipeline_mode<synchronous>, transform_indices = @transform_7, window_bounds = array<i64: 1, 128>}, {pipeline_mode = #tpu.pipeline_mode<synchronous>, transform_indices = @transform_8, window_bounds = array<i64: 1, 128>}, {pipeline_mode = #tpu.pipeline_mode<synchronous>, transform_indices = @transform_9, window_bounds = array<i64: 1, 128>}, {transform_indices = @transform_10, window_bounds = array<i64: 1000, 128>}]} {
    %get3A = arith.constant 0 : index
    %get3A_0 = arith.constant 0 : index
    %get3A_1 = arith.constant 0 : index
    %get3A_2 = vector.load %arg1[%get3A, %get3A_0, %get3A_1] : memref<2x1000x128xf32, #tpu.memory_space<vmem>>, vector<1x1000x128xf32>
    %get3A_3 = vector.shape_cast %get3A_2 : vector<1x1000x128xf32> to vector<1000x128xf32>
    %get3A_4 = arith.constant 1 : index
    %get3A_5 = arith.constant 0 : index
    %get3A_6 = arith.constant 0 : index
    %get3A_7 = vector.load %arg1[%get3A_4, %get3A_5, %get3A_6] : memref<2x1000x128xf32, #tpu.memory_space<vmem>>, vector<1x1000x128xf32>
    %get3A_8 = vector.shape_cast %get3A_7 : vector<1x1000x128xf32> to vector<1000x128xf32>
    %add3A = arith.addf %get3A_3, %get3A_8 : vector<1000x128xf32>
    %get3A_9 = arith.constant 0 : index
    %get3A_10 = arith.constant 0 : index
    %get3A_11 = arith.constant 0 : index
    %get3A_12 = vector.load %arg2[%get3A_9, %get3A_10, %get3A_11] : memref<2x1000x1xf32, #tpu.memory_space<vmem>>, vector<1x1000x1xf32>
    %get3A_13 = vector.shape_cast %get3A_12 : vector<1x1000x1xf32> to vector<1000x1xf32>
    %get3A_14 = arith.constant 1 : index
    %get3A_15 = arith.constant 0 : index
    %get3A_16 = arith.constant 0 : index
    %get3A_17 = vector.load %arg2[%get3A_14, %get3A_15, %get3A_16] : memref<2x1000x1xf32, #tpu.memory_space<vmem>>, vector<1x1000x1xf32>
    %get3A_18 = vector.shape_cast %get3A_17 : vector<1x1000x1xf32> to vector<1000x1xf32>
    %add3A_19 = arith.addf %get3A_13, %get3A_18 : vector<1000x1xf32>
    %max3A = arith.constant 1.000000e+00 : f32
    %max3A_20 = vector.broadcast %max3A : f32 to vector<1000x1xf32>
    %max3A_21 = arith.maximumf %add3A_19, %max3A_20 : vector<1000x1xf32>
    %div3A = arith.constant 1.000000e+00 : f32
    %div3A_22 = vector.broadcast %div3A : f32 to vector<1000x1xf32>
    %div3A_23 = arith.divf %div3A_22, %max3A_21 : vector<1000x1xf32>
    %mul3A = vector.broadcast %div3A_23 : vector<1000x1xf32> to vector<1000x128xf32>
    %mul3A_24 = arith.mulf %add3A, %mul3A : vector<1000x128xf32>
    %get3A_25 = arith.constant 0 : index
    %get3A_26 = arith.constant 0 : index
    %get3A_27 = vector.load %arg4[%get3A_25, %get3A_26] : memref<128x128xf32, #tpu.memory_space<vmem>>, vector<128x128xf32>
    %dot_general3A = arith.constant dense<0.000000e+00> : vector<1000x128xf32>
    %dot_general3A_28 = tpu.matmul %mul3A_24, %get3A_27, %dot_general3A {dimension_numbers = #tpu.dot_dimension_numbers<[1], [0], [0], [1], [0, 0, 1, 1], [], []>, transpose_lhs_hint = false} : vector<1000x128xf32>, vector<128x128xf32>, vector<1000x128xf32> -> vector<1000x128xf32>
    %get3A_29 = arith.constant 0 : index
    %get3A_30 = arith.constant 0 : index
    %get3A_31 = vector.load %arg3[%get3A_29, %get3A_30] : memref<1000x128xf32, #tpu.memory_space<vmem>>, vector<1000x128xf32>
    %get3A_32 = arith.constant 0 : index
    %get3A_33 = arith.constant 0 : index
    %get3A_34 = vector.load %arg6[%get3A_32, %get3A_33] : memref<128x128xf32, #tpu.memory_space<vmem>>, vector<128x128xf32>
    %dot_general3A_35 = arith.constant dense<0.000000e+00> : vector<1000x128xf32>
    %dot_general3A_36 = tpu.matmul %get3A_31, %get3A_34, %dot_general3A_35 {dimension_numbers = #tpu.dot_dimension_numbers<[1], [0], [0], [1], [0, 0, 1, 1], [], []>, transpose_lhs_hint = false} : vector<1000x128xf32>, vector<128x128xf32>, vector<1000x128xf32> -> vector<1000x128xf32>
    %add3A_37 = arith.addf %dot_general3A_28, %dot_general3A_36 : vector<1000x128xf32>
    %get3A_38 = arith.constant 0 : index
    %get3A_39 = arith.constant 0 : index
    %get3A_40 = vector.load %arg5[%get3A_38, %get3A_39] : memref<1x128xf32, #tpu.memory_space<vmem>>, vector<1x128xf32>
    %add3A_41 = vector.broadcast %get3A_40 : vector<1x128xf32> to vector<1000x128xf32>
    %add3A_42 = arith.addf %add3A_37, %add3A_41 : vector<1000x128xf32>
    %get3A_43 = arith.constant 0 : index
    %get3A_44 = arith.constant 0 : index
    %get3A_45 = vector.load %arg7[%get3A_43, %get3A_44] : memref<1x128xf32, #tpu.memory_space<vmem>>, vector<1x128xf32>
    %get3A_46 = arith.constant 0 : index
    %get3A_47 = arith.constant 0 : index
    %get3A_48 = vector.load %arg10[%get3A_46, %get3A_47] : memref<1x128xf32, #tpu.memory_space<vmem>>, vector<1x128xf32>
    %add3A_49 = arith.constant 9.99999974E-6 : f32
    %add3A_50 = vector.broadcast %add3A_49 : f32 to vector<1x128xf32>
    %add3A_51 = arith.addf %get3A_48, %add3A_50 : vector<1x128xf32>
    %rsqrt3A = math.rsqrt %add3A_51 : vector<1x128xf32>
    %mul3A_52 = arith.mulf %get3A_45, %rsqrt3A : vector<1x128xf32>
    %get3A_53 = arith.constant 0 : index
    %get3A_54 = arith.constant 0 : index
    %get3A_55 = vector.load %arg9[%get3A_53, %get3A_54] : memref<1x128xf32, #tpu.memory_space<vmem>>, vector<1x128xf32>
    %sub3A = vector.broadcast %get3A_55 : vector<1x128xf32> to vector<1000x128xf32>
    %sub3A_56 = arith.subf %add3A_42, %sub3A : vector<1000x128xf32>
    %mul3A_57 = vector.broadcast %mul3A_52 : vector<1x128xf32> to vector<1000x128xf32>
    %mul3A_58 = arith.mulf %sub3A_56, %mul3A_57 : vector<1000x128xf32>
    %get3A_59 = arith.constant 0 : index
    %get3A_60 = arith.constant 0 : index
    %get3A_61 = vector.load %arg8[%get3A_59, %get3A_60] : memref<1x128xf32, #tpu.memory_space<vmem>>, vector<1x128xf32>
    %add3A_62 = vector.broadcast %get3A_61 : vector<1x128xf32> to vector<1000x128xf32>
    %add3A_63 = arith.addf %mul3A_58, %add3A_62 : vector<1000x128xf32>
    %max3A_64 = arith.constant 0.000000e+00 : f32
    %max3A_65 = vector.broadcast %max3A_64 : f32 to vector<1000x128xf32>
    %max3A_66 = arith.maximumf %add3A_63, %max3A_65 : vector<1000x128xf32>
    %swap3A = arith.constant 0 : index
    %swap3A_67 = arith.constant 0 : index
    %swap3A_68 = vector.load %arg11[%swap3A, %swap3A_67] : memref<1000x128xf32, #tpu.memory_space<vmem>>, vector<1000x128xf32>
    tpu.vector_store %arg11[%swap3A, %swap3A_67], %max3A_66 {strides = array<i32>} : memref<1000x128xf32, #tpu.memory_space<vmem>>, vector<1000x128xf32>,
    return
  }
  func.func @transform_0(%arg0: i32) -> (i32, i32, i32) {
    %c0_i32 = arith.constant 0 : i32
    %c0_i32_0 = arith.constant 0 : i32
    %c0_i32_1 = arith.constant 0 : i32
    return %c0_i32, %arg0, %c0_i32_0 : i32, i32, i32
  }
  func.func @transform_1(%arg0: i32) -> (i32, i32, i32) {
    %c0_i32 = arith.constant 0 : i32
    %c0_i32_0 = arith.constant 0 : i32
    %c0_i32_1 = arith.constant 0 : i32
    return %c0_i32, %arg0, %c0_i32_0 : i32, i32, i32
  }
  func.func @transform_2(%arg0: i32) -> (i32, i32) {
    %c0_i32 = arith.constant 0 : i32
    %c0_i32_0 = arith.constant 0 : i32
    return %arg0, %c0_i32 : i32, i32
  }
  func.func @transform_3(%arg0: i32) -> (i32, i32) {
    %c0_i32 = arith.constant 0 : i32
    %c0_i32_0 = arith.constant 0 : i32
    %c0_i32_1 = arith.constant 0 : i32
    return %c0_i32, %c0_i32_0 : i32, i32
  }
  func.func @transform_4(%arg0: i32) -> (i32, i32) {
    %c0_i32 = arith.constant 0 : i32
    %c0_i32_0 = arith.constant 0 : i32
    %c0_i32_1 = arith.constant 0 : i32
    return %c0_i32, %c0_i32_0 : i32, i32
  }
  func.func @transform_5(%arg0: i32) -> (i32, i32) {
    %c0_i32 = arith.constant 0 : i32
    %c0_i32_0 = arith.constant 0 : i32
    %c0_i32_1 = arith.constant 0 : i32
    return %c0_i32, %c0_i32_0 : i32, i32
  }
  func.func @transform_6(%arg0: i32) -> (i32, i32) {
    %c0_i32 = arith.constant 0 : i32
    %c0_i32_0 = arith.constant 0 : i32
    %c0_i32_1 = arith.constant 0 : i32
    return %c0_i32, %c0_i32_0 : i32, i32
  }
  func.func @transform_7(%arg0: i32) -> (i32, i32) {
    %c0_i32 = arith.constant 0 : i32
    %c0_i32_0 = arith.constant 0 : i32
    %c0_i32_1 = arith.constant 0 : i32
    return %c0_i32, %c0_i32_0 : i32, i32
  }
  func.func @transform_8(%arg0: i32) -> (i32, i32) {
    %c0_i32 = arith.constant 0 : i32
    %c0_i32_0 = arith.constant 0 : i32
    %c0_i32_1 = arith.constant 0 : i32
    return %c0_i32, %c0_i32_0 : i32, i32
  }
  func.func @transform_9(%arg0: i32) -> (i32, i32) {
    %c0_i32 = arith.constant 0 : i32
    %c0_i32_0 = arith.constant 0 : i32
    %c0_i32_1 = arith.constant 0 : i32
    return %c0_i32, %c0_i32_0 : i32, i32
  }
  func.func @transform_10(%arg0: i32) -> (i32, i32) {
    %c0_i32 = arith.constant 0 : i32
    %c0_i32_0 = arith.constant 0 : i32
    return %arg0, %c0_i32 : i32, i32
  }
}

module attributes {stable_mosaic.version = 14 : i64} {
  func.func @_combine_body(%arg0: i32, %arg1: memref<2x1000x128xf32, #tpu.memory_space<vmem>>, %arg2: memref<2x1000x1xf32, #tpu.memory_space<vmem>>, %arg3: memref<1000x128xf32, #tpu.memory_space<vmem>>, %arg4: memref<128x128xf32, #tpu.memory_space<vmem>>, %arg5: memref<1x128xf32, #tpu.memory_space<vmem>>, %arg6: memref<128x128xf32, #tpu.memory_space<vmem>>, %arg7: memref<1x128xf32, #tpu.memory_space<vmem>>, %arg8: memref<1x128xf32, #tpu.memory_space<vmem>>, %arg9: memref<1x128xf32, #tpu.memory_space<vmem>>, %arg10: memref<1x128xf32, #tpu.memory_space<vmem>>, %arg11: memref<1000x128xf32, #tpu.memory_space<vmem>>) attributes {dimension_semantics = [#tpu.dimension_semantics<arbitrary>], iteration_bounds = array<i64: 10>, scalar_prefetch = 0 : i64, scratch_operands = 0 : i64, tpu.core_type = #tpu.core_type<tc>, window_params = [{transform_indices = @transform_0, window_bounds = array<i64: 2, 1000, 128>}, {transform_indices = @transform_1, window_bounds = array<i64: 2, 1000, 1>}, {transform_indices = @transform_2, window_bounds = array<i64: 1000, 128>}, {pipeline_mode = #tpu.pipeline_mode<synchronous>, transform_indices = @transform_3, window_bounds = array<i64: 128, 128>}, {pipeline_mode = #tpu.pipeline_mode<synchronous>, transform_indices = @transform_4, window_bounds = array<i64: 1, 128>}, {pipeline_mode = #tpu.pipeline_mode<synchronous>, transform_indices = @transform_5, window_bounds = array<i64: 128, 128>}, {pipeline_mode = #tpu.pipeline_mode<synchronous>, transform_indices = @transform_6, window_bounds = array<i64: 1, 128>}, {pipeline_mode = #tpu.pipeline_mode<synchronous>, transform_indices = @transform_7, window_bounds = array<i64: 1, 128>}, {pipeline_mode = #tpu.pipeline_mode<synchronous>, transform_indices = @transform_8, window_bounds = array<i64: 1, 128>}, {pipeline_mode = #tpu.pipeline_mode<synchronous>, transform_indices = @transform_9, window_bounds = array<i64: 1, 128>}, {transform_indices = @transform_10, window_bounds = array<i64: 1000, 128>}]} {
    %get3A = arith.constant 0 : index
    %get3A_0 = arith.constant 0 : index
    %get3A_1 = arith.constant 0 : index
    %get3A_2 = vector.load %arg1[%get3A, %get3A_0, %get3A_1] : memref<2x1000x128xf32, #tpu.memory_space<vmem>>, vector<1x1000x128xf32>
    %get3A_3 = vector.shape_cast %get3A_2 : vector<1x1000x128xf32> to vector<1000x128xf32>
    %get3A_4 = arith.constant 1 : index
    %get3A_5 = arith.constant 0 : index
    %get3A_6 = arith.constant 0 : index
    %get3A_7 = vector.load %arg1[%get3A_4, %get3A_5, %get3A_6] : memref<2x1000x128xf32, #tpu.memory_space<vmem>>, vector<1x1000x128xf32>
    %get3A_8 = vector.shape_cast %get3A_7 : vector<1x1000x128xf32> to vector<1000x128xf32>
    %add3A = arith.addf %get3A_3, %get3A_8 : vector<1000x128xf32>
    %get3A_9 = arith.constant 0 : index
    %get3A_10 = arith.constant 0 : index
    %get3A_11 = arith.constant 0 : index
    %get3A_12 = vector.load %arg2[%get3A_9, %get3A_10, %get3A_11] : memref<2x1000x1xf32, #tpu.memory_space<vmem>>, vector<1x1000x1xf32>
    %get3A_13 = vector.shape_cast %get3A_12 : vector<1x1000x1xf32> to vector<1000x1xf32>
    %get3A_14 = arith.constant 1 : index
    %get3A_15 = arith.constant 0 : index
    %get3A_16 = arith.constant 0 : index
    %get3A_17 = vector.load %arg2[%get3A_14, %get3A_15, %get3A_16] : memref<2x1000x1xf32, #tpu.memory_space<vmem>>, vector<1x1000x1xf32>
    %get3A_18 = vector.shape_cast %get3A_17 : vector<1x1000x1xf32> to vector<1000x1xf32>
    %add3A_19 = arith.addf %get3A_13, %get3A_18 : vector<1000x1xf32>
    %max3A = arith.constant 1.000000e+00 : f32
    %max3A_20 = vector.broadcast %max3A : f32 to vector<1000x1xf32>
    %max3A_21 = arith.maximumf %add3A_19, %max3A_20 : vector<1000x1xf32>
    %div3A = arith.constant 1.000000e+00 : f32
    %div3A_22 = vector.broadcast %div3A : f32 to vector<1000x1xf32>
    %div3A_23 = arith.divf %div3A_22, %max3A_21 : vector<1000x1xf32>
    %mul3A = vector.broadcast %div3A_23 : vector<1000x1xf32> to vector<1000x128xf32>
    %mul3A_24 = arith.mulf %add3A, %mul3A : vector<1000x128xf32>
    %get3A_25 = arith.constant 0 : index
    %get3A_26 = arith.constant 0 : index
    %get3A_27 = vector.load %arg4[%get3A_25, %get3A_26] : memref<128x128xf32, #tpu.memory_space<vmem>>, vector<128x128xf32>
    %dot_general3A = arith.constant dense<0.000000e+00> : vector<1000x128xf32>
    %dot_general3A_28 = tpu.matmul %mul3A_24, %get3A_27, %dot_general3A {dimension_numbers = #tpu.dot_dimension_numbers<[1], [0], [0], [1], [0, 0, 1, 1], [], []>, transpose_lhs_hint = false} : vector<1000x128xf32>, vector<128x128xf32>, vector<1000x128xf32> -> vector<1000x128xf32>
    %get3A_29 = arith.constant 0 : index
    %get3A_30 = arith.constant 0 : index
    %get3A_31 = vector.load %arg3[%get3A_29, %get3A_30] : memref<1000x128xf32, #tpu.memory_space<vmem>>, vector<1000x128xf32>
    %get3A_32 = arith.constant 0 : index
    %get3A_33 = arith.constant 0 : index
    %get3A_34 = vector.load %arg6[%get3A_32, %get3A_33] : memref<128x128xf32, #tpu.memory_space<vmem>>, vector<128x128xf32>
    %dot_general3A_35 = arith.constant dense<0.000000e+00> : vector<1000x128xf32>
    %dot_general3A_36 = tpu.matmul %get3A_31, %get3A_34, %dot_general3A_35 {dimension_numbers = #tpu.dot_dimension_numbers<[1], [0], [0], [1], [0, 0, 1, 1], [], []>, transpose_lhs_hint = false} : vector<1000x128xf32>, vector<128x128xf32>, vector<1000x128xf32> -> vector<1000x128xf32>
    %add3A_37 = arith.addf %dot_general3A_28, %dot_general3A_36 : vector<1000x128xf32>
    %get3A_38 = arith.constant 0 : index
    %get3A_39 = arith.constant 0 : index
    %get3A_40 = vector.load %arg5[%get3A_38, %get3A_39] : memref<1x128xf32, #tpu.memory_space<vmem>>, vector<1x128xf32>
    %add3A_41 = vector.broadcast %get3A_40 : vector<1x128xf32> to vector<1000x128xf32>
    %add3A_42 = arith.addf %add3A_37, %add3A_41 : vector<1000x128xf32>
    %swap3A = arith.constant 0 : index
    %swap3A_43 = arith.constant 0 : index
    %swap3A_44 = vector.load %arg11[%swap3A, %swap3A_43] : memref<1000x128xf32, #tpu.memory_space<vmem>>, vector<1000x128xf32>
    tpu.vector_store %arg11[%swap3A, %swap3A_43], %add3A_42 {strides = array<i32>} : memref<1000x128xf32, #tpu.memory_space<vmem>>, vector<1000x128xf32>,
    return
  }
  func.func @transform_0(%arg0: i32) -> (i32, i32, i32) {
    %c0_i32 = arith.constant 0 : i32
    %c0_i32_0 = arith.constant 0 : i32
    %c0_i32_1 = arith.constant 0 : i32
    return %c0_i32, %arg0, %c0_i32_0 : i32, i32, i32
  }
  func.func @transform_1(%arg0: i32) -> (i32, i32, i32) {
    %c0_i32 = arith.constant 0 : i32
    %c0_i32_0 = arith.constant 0 : i32
    %c0_i32_1 = arith.constant 0 : i32
    return %c0_i32, %arg0, %c0_i32_0 : i32, i32, i32
  }
  func.func @transform_2(%arg0: i32) -> (i32, i32) {
    %c0_i32 = arith.constant 0 : i32
    %c0_i32_0 = arith.constant 0 : i32
    return %arg0, %c0_i32 : i32, i32
  }
  func.func @transform_3(%arg0: i32) -> (i32, i32) {
    %c0_i32 = arith.constant 0 : i32
    %c0_i32_0 = arith.constant 0 : i32
    %c0_i32_1 = arith.constant 0 : i32
    return %c0_i32, %c0_i32_0 : i32, i32
  }
  func.func @transform_4(%arg0: i32) -> (i32, i32) {
    %c0_i32 = arith.constant 0 : i32
    %c0_i32_0 = arith.constant 0 : i32
    %c0_i32_1 = arith.constant 0 : i32
    return %c0_i32, %c0_i32_0 : i32, i32
  }
  func.func @transform_5(%arg0: i32) -> (i32, i32) {
    %c0_i32 = arith.constant 0 : i32
    %c0_i32_0 = arith.constant 0 : i32
    %c0_i32_1 = arith.constant 0 : i32
    return %c0_i32, %c0_i32_0 : i32, i32
  }
  func.func @transform_6(%arg0: i32) -> (i32, i32) {
    %c0_i32 = arith.constant 0 : i32
    %c0_i32_0 = arith.constant 0 : i32
    %c0_i32_1 = arith.constant 0 : i32
    return %c0_i32, %c0_i32_0 : i32, i32
  }
  func.func @transform_7(%arg0: i32) -> (i32, i32) {
    %c0_i32 = arith.constant 0 : i32
    %c0_i32_0 = arith.constant 0 : i32
    %c0_i32_1 = arith.constant 0 : i32
    return %c0_i32, %c0_i32_0 : i32, i32
  }
  func.func @transform_8(%arg0: i32) -> (i32, i32) {
    %c0_i32 = arith.constant 0 : i32
    %c0_i32_0 = arith.constant 0 : i32
    %c0_i32_1 = arith.constant 0 : i32
    return %c0_i32, %c0_i32_0 : i32, i32
  }
  func.func @transform_9(%arg0: i32) -> (i32, i32) {
    %c0_i32 = arith.constant 0 : i32
    %c0_i32_0 = arith.constant 0 : i32
    %c0_i32_1 = arith.constant 0 : i32
    return %c0_i32, %c0_i32_0 : i32, i32
  }
  func.func @transform_10(%arg0: i32) -> (i32, i32) {
    %c0_i32 = arith.constant 0 : i32
    %c0_i32_0 = arith.constant 0 : i32
    return %arg0, %c0_i32 : i32, i32
  }
}

</mosaic_0001>

<sc_bundles>
// kernel: kernel.6.cloned.1.call-start
scs
__scs_entry_jumppad:
0x0: {  	(pc) =	sbr.rel $0x88, $3  }
0x1: {  	(tag) =	ssettag $0x0;
	lr =	simm.s32 $0x1  }
0x2: {  	[smem:$0x3F95] =	sst lr;
	_ =	strace $0xD0000000  }
0x3: {  	_ = 	snop  }
0x4: {  	_ = 	snop  }
0x5: {  	_ = 	snop  }
0x6: {  	_ = 	snop  }
0x7: {  	_ = 	snop  }
__scs_overlays_trampoline_lowered:
0x8: {  	[smem:$0x3FA4] =	sst s0  }
0x9: {  	[smem:$0x3FA5] =	sst s1  }
0xa: {  	[smem:$0x3FA6] =	sst s2  }
0xb: {  	[smem:$0x3FA7] =	sst s3  }
0xc: {  	[smem:$0x3FA8] =	sst s4  }
0xd: {  	[smem:$0x3FA9] =	sst s5  }
0xe: {  	[smem:$0x3FAA] =	sst s6  }
0xf: {  	[smem:$0x3FAB] =	sst s7  }
0x10: {  	[smem:$0x3FAC] =	sst s8  }
0x11: {  	[smem:$0x3FAD] =	sst s9;
	s0 =	simm.s32 @!p0 $0x0  }
0x12: {  	s1 =	sld [smem:$0x3F93];
	s0 =	simm.s32 @p0 $0x1  }
0x13: {  	[smem:$0x3FAE] =	sst s0;
	s0 =	simm.s32 @!p1 $0x0  }
0x14: {  	s2 =	sld [smem:$0x3F92];
	s0 =	simm.s32 @p1 $0x1  }
0x15: {  	[smem:$0x3FAF] =	sst s0;
	s0 =	simm.s32 @!p2 $0x0  }
0x16: {  	s3 =	sld [smem:$0x3FDB];
	s0 =	simm.s32 @p2 $0x1  }
0x17: {  	s4 =	simm.s32 $0x1BF5;
	[smem:$0x3FB1] =	sst s0  }
0x18: {  	s0 =	sld [smem:$0x3F94];
	_ =	swait.ge [sflag:s4], $0x0  }
0x19: {  	s7 =	sld [smem:$0x3F95]  }
0x1a: {  	s8 =	sadd.s32 $0xFFFFE003, lr  }
0x1b: {  	s9 =	sadd.s32 $0xFFFFFEF7, lr;
	s5 =	simm.s32 $0xFFFFFFFF;
	p2 =	slt.u32 s8, $0xFFFFF086  }
0x1c: {  	p1 =	slt.u32 s9, $0xF7A;
	s5 =	simm.s32 @!p2 $0x0  }
0x1d: {  	s5 =	simm.s32 @p1 $0x1;
	p0 =	seq.s32 s7, s2  }
0x1e: {  	s7 =	smul.u32 @!p0 $0xF7A, s2;
	p2 =	seq.s32 @!p0 s5, $0x0  }
0x1f: {  	s9 =	smul.u32 $0xF7A, s1;
	s8 =	simm.s32 @!p0 $0x1BF5;
	p2 =	por !p2, p0  }
0x20: {  	[sflag:s8] =	ssyncset.s32 @!p0 $0xFFFFF086;
	s6 =	sadd.s32 @!p0 s3, s7;
	s7 =	simm.s32 @!p0 $0x108  }
0x21: {  	s3 =	sadd.s32 s3, s9;
	s6 =	sadd.s32 @!p0 $0x88, s6;
	s7 =	simm.s32 @p2 $0x1082  }
0x22: {  	[simem:s7], [sflag:s8] =	dma.local @!p0 [hbm:s6], $0xF7A  }
0x23: {  	s9 =	sor.u32 $0xD0000000, s2;
	s6 =	simm.s32 $0x108;
	_ =	swait.ge @!p0 [sflag:s8], $0x0  }
0x24: {  	s3 =	sadd.s32 $0x88, s3;
	s6 =	simm.s32 @!p1 $0x1082;
	[sflag:s4] =	ssyncset.s32 $0xFFFFF086  }
0x25: {  	[simem:s6], [sflag:s4] =	dma.local [hbm:s3], $0xF7A  }
0x26: {  	[smem:$0x3F95] =	sst s1;
	(tag) =	ssettag s2;
	_ =	strace s9  }
0x27: {  	s1 =	sld [smem:$0x3FA5]  }
0x28: {  	s2 =	sld [smem:$0x3FA6]  }
0x29: {  	s4 =	sld [smem:$0x3FA8]  }
0x2a: {  	p0 =	seq.s32 s5, $0x0;
	s5 =	sld [smem:$0x3FA9]  }
0x2b: {  	s6 =	sld [smem:$0x3FAA]  }
0x2c: {  	s7 =	sld [smem:$0x3FAB]  }
0x2d: {  	s3 =	simm.s32 $0x108;
	s8 =	sld [smem:$0x3FAC]  }
0x2e: {  	s3 =	simm.s32 @!p0 $0x1082;
	s9 =	sld [smem:$0x3FAD]  }
0x2f: {  	lr =	sadd.s32 s0, s3;
	s0 =	sld [smem:$0x3FA4]  }
0x30: {  	s3 =	sld [smem:$0x3FA7]  }
0x31: {  	[smem:$0x3FB0] =	sst s10  }
0x32: {  	s10 =	sld [smem:$0x3FAE];
	_ =	sdelay $0x3  }
0x33: {  	p0 =	seq.s32 s10, $0x1;
	s10 =	sld [smem:$0x3FB0];
	_ =	sdelay $0x3  }
0x34: {  	[smem:$0x3FB0] =	sst s10  }
0x35: {  	s10 =	sld [smem:$0x3FAF];
	_ =	sdelay $0x3  }
0x36: {  	p1 =	seq.s32 s10, $0x1;
	s10 =	sld [smem:$0x3FB0];
	_ =	sdelay $0x3  }
0x37: {  	[smem:$0x3FB0] =	sst s10  }
0x38: {  	s10 =	sld [smem:$0x3FB1]  }
0x39: {  	_ = 	snop;
	(pc) =	sbr.ind lr, $3  }
0x3a: {  	_ = 	snop  }
0x3b: {  	_ = 	snop  }
0x3c: {  	p2 =	seq.s32 s10, $0x1;
	s10 =	sld [smem:$0x3FB0]  }
0x3d: {  	_ =	shalt  }
0x3e: {  	_ =	shalt  }
0x3f: {  	_ =	shalt  }
0x40: {  	_ =	shalt  }
0x41: {  	_ =	shalt  }
0x42: {  	_ =	shalt  }
0x43: {  	_ =	shalt  }
0x44: {  	_ =	shalt  }
0x45: {  	_ =	shalt  }
0x46: {  	_ =	shalt  }
0x47: {  	_ =	shalt  }
0x48: {  	_ =	shalt  }
0x49: {  	_ =	shalt  }
0x4a: {  	_ =	shalt  }
0x4b: {  	_ =	shalt  }
0x4c: {  	_ =	shalt  }
0x4d: {  	_ =	shalt  }
0x4e: {  	_ =	shalt  }
0x4f: {  	_ =	shalt  }
0x50: {  	_ =	shalt  }
0x51: {  	_ =	shalt  }
0x52: {  	_ =	shalt  }
0x53: {  	_ =	shalt  }
0x54: {  	_ =	shalt  }
0x55: {  	_ =	shalt  }
0x56: {  	_ =	shalt  }
0x57: {  	_ =	shalt  }
0x58: {  	_ =	shalt  }
0x59: {  	_ =	shalt  }
0x5a: {  	_ =	shalt  }
0x5b: {  	_ =	shalt  }
0x5c: {  	_ =	shalt  }
0x5d: {  	_ =	shalt  }
0x5e: {  	_ =	shalt  }
0x5f: {  	_ =	shalt  }
0x60: {  	_ =	shalt  }
0x61: {  	_ =	shalt  }
0x62: {  	_ =	shalt  }
0x63: {  	_ =	shalt  }
0x64: {  	_ =	shalt  }
0x65: {  	_ =	shalt  }
0x66: {  	_ =	shalt  }
0x67: {  	_ =	shalt  }
0x68: {  	_ =	shalt  }
0x69: {  	_ =	shalt  }
0x6a: {  	_ =	shalt  }
0x6b: {  	_ =	shalt  }
0x6c: {  	_ =	shalt  }
0x6d: {  	_ =	shalt  }
0x6e: {  	_ =	shalt  }
0x6f: {  	_ =	shalt  }
0x70: {  	_ =	shalt  }
0x71: {  	_ =	shalt  }
0x72: {  	_ =	shalt  }
0x73: {  	_ =	shalt  }
0x74: {  	_ =	shalt  }
0x75: {  	_ =	shalt  }
0x76: {  	_ =	shalt  }
0x77: {  	_ =	shalt  }
0x78: {  	_ =	shalt  }
0x79: {  	_ =	shalt  }
0x7a: {  	_ =	shalt  }
0x7b: {  	_ =	shalt  }
0x7c: {  	_ =	shalt  }
0x7d: {  	_ =	shalt  }
0x7e: {  	_ =	shalt  }
0x7f: {  	_ =	shalt  }
0x80: {  	_ =	shalt  }
0x81: {  	_ =	shalt  }
0x82: {  	_ =	shalt  }
0x83: {  	_ =	shalt  }
0x84: {  	_ =	shalt  }
0x85: {  	_ =	shalt  }
0x86: {  	_ =	shalt  }
0x87: {  	_ =	shalt  }
.Lfunc_end0:
.L_simem_size_0:
called_computation_lowered:
.L_overlay_start_0:
0x88: {  	s2 =	sld [smem:$0x3FD9]  }
0x89: {  	s3 =	sld [smem:$0x3FFE];
	_ =	sdelay $0x1  }
0x8a: {  	s1 =	srdreg.scid  }
0x8b: {  	s0 =	sand.u32 $0x1, s1  }
0x8c: {  	s17 =	sshll.u32 s0, $0xA;
	s2 =	sadd.s32 s3, s2  }
0x8d: {  	s2 =	sadd.s32 s2, s17  }
0x8e: {  	[smem:$0x3FBC] =	sst s2  }
0x8f: {  	_ = 	snop  }
0x90: {  	s2 =	sld [smem:$0x3FC9]  }
0x91: {  	s18 =	sld [smem:$0x3FD0];
	(tm) =	ssettm $0x1  }
0x92: {  	s4 =	sld [smem:$0x3FFB];
	_ =	sdelay $0x3  }
0x93: {  	_ =	strace s4  }
0x94: {  	s4 =	sld [smem:$0x3FFC];
	_ =	sdelay $0x3  }
0x95: {  	_ =	strace s4  }
0x96: {  	s4 =	sld [smem:$0x3FFD];
	_ =	sdelay $0x3  }
0x97: {  	_ =	strace s4  }
0x98: {  	_ =	strace $0x8FFFFFFF  }
0x99: {  	s19 =	sld [smem:$0x3FDB];
	_ =	sdelay $0x1  }
0x9a: {  	s5 =	simm.s32 $_scs_section_size  }
0x9b: {  	s6 =	simm.s32 $_size__tile_overlayer_lowered;
	s7 =	simm.s32 $_tile_overlayer_lowered  }
0x9c: {  	s22 =	simm.s32 $0x1BFF;
	s21 =	sshll.u32 s7, $0x1;
	s4 =	sadd.s32 s5, s19  }
0x9d: {  	s8 =	simm.s32 $0x0;
	s20 =	sshll.u32 s6, $0x1;
	s6 =	sadd.s32 s21, s4  }
0x9e: {  	[timem:s8], [sflag:s22] =	dma.local [hbm:s6], s20  }
0x9f: {  	_ =	swait.ge [sflag:s22], s20  }
0xa0: {  	s5 =	ssub.s32 $0x0, s20;
	[sflag:s22] =	ssyncset.done $0x0  }
0xa1: {  	[sflag:s22] =	ssyncadd.s32 s5;
	_ =	sdelay $0x1  }
0xa2: {  	s23 =	simm.s32 $0x1B8B  }
0xa3: {  	_ =	swait.ge [sflag:s23], $0x1  }
0xa4: {  	[sflag:s23] =	ssyncset.done $0x0  }
0xa5: {  	s25 =	simm.s32 $0x1B8E;
	s24 =	sld [smem:$0x3FFE];
	[sflag:s23] =	ssyncadd.s32 $0xFFFFFFFF  }
0xa6: {  	s26 =	simm.s32 $execute0_lowered;
	[smem:$0x3FD2] =	sst s25  }
0xa7: {  	s6 =	sshll.u32 s26, $0x1;
	_ =	strace $0x80000046;
	[dreg:$0x1] =	wrdreg $0xFFFFFFFF  }
0xa8: {  	s28 =	simm.s32 $_size_execute0_lowered;
	s4 =	sadd.s32 s4, s6;
	[dreg:$0x0] =	wrdreg $0x0  }
0xa9: {  	s6 =	sshll.u32 s28, $0x1;
	[dreg:$0x2] =	wrdreg s4  }
0xaa: {  	[dreg:$0x3] =	wrdreg s6  }
0xab: {  	[dreg:$0x4] =	wrdreg $0xC0  }
0xac: {  	_ =	task [dreg:s8], $0x5FFFF  }
0xad: {  	[dreg:$0x1] =	wrdreg $0xFFFFFFFF  }
0xae: {  	[dreg:$0x0] =	wrdreg $0x60  }
0xaf: {  	[dreg:$0x2] =	wrdreg s2  }
0xb0: {  	[dreg:$0x3] =	wrdreg s24  }
0xb1: {  	[dreg:$0x4] =	wrdreg s18  }
0xb2: {  	[dreg:$0x5] =	wrdreg $0xA8800  }
0xb3: {  	[dreg:$0x6] =	wrdreg $0x1E4800  }
0xb4: {  	[dreg:$0x7] =	wrdreg $0x9  }
0xb5: {  	_ =	task.clear_ibuf [dreg:s8], $0x8FFFF;
	_ =	strace $0x90000046  }
0xb6: {  	s29 =	simm.s32 $0x9;
	_ =	strace $0x80000048  }
0xb7: {  	_ =	swait.ge [sflag:s29], $0x1  }
0xb8: {  	[sflag:s29] =	ssyncadd.s32 $0xFFFFFFFF  }
0xb9: {  	_ =	strace $0x90000048  }
0xba: {  	_ =	sfence  }
0xbb: {  	s30 =	sld [smem:$0x0];
	_ =	sdelay $0x2  }
0xbc: {  	s31 =	sshll.u32 s1, $0xD;
	s1 =	sshrl.u32 s1, $0x2  }
0xbd: {  	s3 =	sand.u32 $0x4000, s31;
	s1 =	sadd.s32 s1, s30  }
0xbe: {  	s0 =	sor.u32 s3, s0;
	s1 =	sshll.u32 s1, $0x11  }
0xbf: {  	s0 =	sor.u32 s1, s0  }
0xc0: {  	s0 =	sadd.s32 $0x8F2B, s0  }
0xc1: {  	[sflag:s0] =	ssyncadd.remote.s32 $0x1  }
0xc2: {  	_ =	sfence.sel $0xFFFF  }
0xc3: {  	[dreg:$0x0] =	wrdreg $0xFFFFFFFF;
	(pc) =	sbr.abs _section_cstart, $3  }
0xc4: {  	[dreg:$0x1] =	wrdreg $0xFFFFFFFF  }
0xc5: {  	_ =	task.clear_ibuf [dreg:s8], $0x2FFFF;
	_ =	strace $0x9FFFFFFF  }
0xc6: {  	(tm) =	ssettm $0x7FFFFFFF  }
0xc7: {  	_ =	shalt  }
tec
execute0_lowered:
.L_overlay_start_1:
0x0: {  	(tag) =	ssettag $0x1  }
0x1: {  	s1 =	rddreg [dreg:$0x0]  }
0x2: {  	s0 =	rddreg [dreg:$0x1]  }
0x3: {  	s4 =	rddreg [dreg:$0x2]  }
0x4: {  	s2 =	rddreg [dreg:$0x3]  }
0x5: {  	s3 =	rddreg [dreg:$0x4];
	s5 =	srdreg.scid  }
0x6: {  	s14 =	stileid.u32;
	s17 =	simm.s32 $0x5;
	s28 =	simm.s32 $0x3  }
0x7: {  	s29 =	simm.s32 $0x4;
	s30 =	simm.s32 $0x2700;
	s31 =	simm.s32 $0x2780  }
0x8: {  	s6 =	sand.u32 $0x1, s5;
	s5 =	simm.s32 $0x0;
	s8 =	smul.u32 $0x13C00, s14  }
0x9: {  	s11 =	sadd.s32 $0xC800, s0;
	s12 =	sadd.s32 $0x2800, s0;
	s13 =	smul.u32 $0x4F000, s14  }
0xa: {  	s18 =	sadd.s32 $0x16A00, s0;
	s19 =	sadd.s32 $0x16800, s0;
	s24 =	smul.u32 $0x280, s14  }
0xb: {  	s23 =	sshll.u32 s14, $0x6;
	s7 =	smul.u32 $0x13C000, s6;
	[smem:$0x7FF] =	sst s5  }
0xc: {  	s9 =	ssub.s32 $0x2, s6;
	_ =	strace $0x80000047;
	[dreg:$0x6] =	wrdreg s18  }
0xd: {  	s10 =	sshll.u32 s6, $0x4;
	s6 =	smul.u32 $0x2800, s6;
	[dreg:$0x7] =	wrdreg s19  }
0xe: {  	s20 =	sshrl.u32 s9, $0x1;
	s10 =	sor.u32 s14, s10;
	s21 =	sshrl.u32 s13, $0x2  }
0xf: {  	s18 =	sadd.s32 s24, s3;
	s19 =	simm.s32 $0x1400;
	s8 =	sadd.s32 s8, s7  }
0x10: {  	s15 =	ssub.s32 s9, s20;
	s22 =	smul.u32 $0x2800, s10;
	s16 =	sadd.s32 s21, s2  }
0x11: {  	s6 =	sadd.s32 s24, s6;
	s18 =	sshrl.u32 s18, $0x3;
	s20 =	simm.s32 $0x7D  }
0x12: {  	s21 =	simm.s32 $0x2800;
	s24 =	simm.s32 $0x1;
	s8 =	sshrl.u32 s8, $0x3  }
0x13: {  	s26 =	sshrl.u32 s6, $0x3;
	s15 =	smax.u32 s15, $0x1;
	s16 =	sshrl.u32 s16, $0x3  }
0x14: {  	s0 =	sadd.s32 s8, s0;
	s8 =	sor.u32 $0x1C05, s23;
	s10 =	sshrl.u32 s22, $0x3  }
0x15: {  	s14 =	sadd.s32 s4, s26;
	s22 =	simm.s32 $0x80;
	s23 =	simm.s32 $0x6800  }
0x16: {  	s26 =	simm.s32 $0x2;
	s9 =	sadd.s32 s11, s10;
	s25 =	sadd.s32 $0x280, s10  }
0x17: {  	s10 =	sadd.s32 s12, s10;
	s13 =	sadd.s32 $0x19200, s0;
	s0 =	simm.s32 $0x0  }
0x18: {  	v0 =	vimm.f32 $1.000000000e+00;
	s11 =	sadd.s32 s11, s25;
	s12 =	sadd.s32 s12, s25;
	s25 =	simm.s32 $0xA800  }
.LBB2_1:
0x19: {  	s4 =	rddreg [dreg:$0x6]  }
0x1a: {  	[spmem:s16], [sflag:s8] =	dma.local [hbm:s4], $0x2780  }
0x1b: {  	_ =	swait.ge [sflag:s17], $0x2780  }
0x1c: {  	[sflag:s17] =	ssyncset.done $0x0  }
0x1d: {  	s6 =	rddreg [dreg:$0x7];
	[sflag:s17] =	ssyncadd.s32 $0xFFFFD880  }
0x1e: {  	[spmem:s18], [sflag:s8] =	dma.local [hbm:s6], $0x50  }
0x1f: {  	_ =	swait.ge [sflag:s17], $0x50  }
0x20: {  	[sflag:s17] =	ssyncset.done $0x0  }
0x21: {  	[sflag:s17] =	ssyncadd.s32 $0xFFFFFFB0  }
0x22: {  	[tilespmem:$0xA800] =	vst v0  }
0x23: {  	[tilespmem:$0xA810] =	vst v0  }
0x24: {  	[tilespmem:$0xA820] =	vst v0  }
0x25: {  	[tilespmem:$0xA830] =	vst v0  }
0x26: {  	[tilespmem:$0xA840] =	vst v0  }
0x27: {  	[tilespmem:$0xA850] =	vst v0  }
0x28: {  	[tilespmem:$0xA860] =	vst v0  }
0x29: {  	[tilespmem:$0xA870] =	vst v0  }
0x2a: {  	[bflag:$0x0] =	sbarrier.arrive $0xFFFF  }
0x2b: {  	[tilespmem:s5], [sflag:$0x5] =	stream.linear.gather [hbm4b:s9+s5], $0x1400, $0x38;
	[tilespmem:$0x1E700] =	vst v63  }
0x2c: {  	_ =	swait.ge [sflag:s17], $0x1400  }
0x2d: {  	[sflag:s17] =	ssyncset.done $0x0  }
0x2e: {  	[sflag:s17] =	ssyncadd.s32 $0xFFFFEC00  }
0x2f: {  	[tilespmem:s19], [sflag:$0x5] =	stream.linear.gather [hbm4b:s10+s5], $0x1400, $0x38;
	[tilespmem:$0x1E700] =	vst v63  }
0x30: {  	_ =	swait.ge [sflag:s17], $0x1400  }
0x31: {  	[sflag:s17] =	ssyncset.done $0x0  }
0x32: {  	[sflag:s17] =	ssyncadd.s32 $0xFFFFEC00  }
0x33: {  	[tilespmem:s21], [sflag:$0x1] =	stream.indirect.gather [hbm4b:s1+s20], $0x80, s5, s20, $0xb8;
	[tilespmem:$0x1E700] =	vst v63  }
0x34: {  	_ = 	snop  }
0x35: {  	[tilespmem:s23], [sflag:$0x2] =	stream.indirect.gather [hbm4b:s1+s20], $0x80, s22, s20, $0xb8;
	[tilespmem:$0x1E700] =	vst v63  }
0x36: {  	_ =	swait.ge [sflag:s24], $0x3E80  }
0x37: {  	[sflag:s24] =	ssyncset.done $0x0  }
0x38: {  	s7 =	simm.s32 $0x1400;
	[sflag:s24] =	ssyncadd.s32 $0xFFFFC180  }
0x39: {  	[spmem:s2] =	stream.indirect.scatter.add.f32 [tilespmem:s21], [sflag:$0x3], $0x80, s7, s20, $0xb8;
	[tilespmem:$0x1E700] =	vst v63  }
0x3a: {  	_ = 	snop  }
0x3b: {  	[spmem:s3] =	stream.indirect.scatter.add.f32 [tilespmem:s25], [sflag:$0x5], $0x1, s7, s20, $0xb8;
	[tilespmem:$0x1E700] =	vst v63  }
0x3c: {  	_ =	swait.ge [sflag:s17], $0x7D  }
0x3d: {  	[sflag:s17] =	ssyncset.done $0x0  }
0x3e: {  	[sflag:s17] =	ssyncadd.s32 $0xFFFFFF83  }
0x3f: {  	_ =	swait.ge [sflag:s26], $0x3E80  }
0x40: {  	[sflag:s26] =	ssyncset.done $0x0  }
0x41: {  	s6 =	simm.s32 $0x1480;
	[sflag:s26] =	ssyncadd.s32 $0xFFFFC180  }
0x42: {  	[spmem:s2] =	stream.indirect.scatter.add.f32 [tilespmem:s23], [sflag:$0x4], $0x80, s6, s20, $0xb8;
	[tilespmem:$0x1E700] =	vst v63  }
0x43: {  	_ = 	snop  }
0x44: {  	[spmem:s3] =	stream.indirect.scatter.add.f32 [tilespmem:s25], [sflag:$0x5], $0x1, s6, s20, $0xb8;
	[tilespmem:$0x1E700] =	vst v63  }
0x45: {  	_ =	swait.ge [sflag:s17], $0x7D  }
0x46: {  	[sflag:s17] =	ssyncset.done $0x0  }
0x47: {  	[sflag:s17] =	ssyncadd.s32 $0xFFFFFF83  }
0x48: {  	_ =	swait.ge [sflag:s28], $0x3E80  }
0x49: {  	[sflag:s28] =	ssyncset.done $0x0  }
0x4a: {  	s7 =	simm.s32 $0x100;
	[sflag:s28] =	ssyncadd.s32 $0xFFFFC180  }
0x4b: {  	[tilespmem:s21], [sflag:$0x1] =	stream.indirect.gather [hbm4b:s1+s20], $0x80, s7, s20, $0xb8;
	[tilespmem:$0x1E700] =	vst v63  }
0x4c: {  	_ =	swait.ge [sflag:s29], $0x3E80  }
0x4d: {  	[sflag:s29] =	ssyncset.done $0x0  }
0x4e: {  	s4 =	simm.s32 $0x400;
	s6 =	simm.s32 $0x180;
	[sflag:s29] =	ssyncadd.s32 $0xFFFFC180  }
.LBB2_2:
0x4f: {  	[tilespmem:s23], [sflag:$0x2] =	stream.indirect.gather [hbm4b:s1+s20], $0x80, s6, s20, $0xb8;
	[tilespmem:$0x1E700] =	vst v63  }
0x50: {  	s6 =	smov.u32 s4  }
0x51: {  	p0 =	sne.s32 s4, $0x4800;
	s4 =	sadd.s32 $0x400, s4;
	_ =	swait.ge [sflag:s24], $0x3E80  }
0x52: {  	s6 =	sshra.s32 s6, $0x2;
	[sflag:s24] =	ssyncset.done $0x0  }
0x53: {  	s7 =	sadd.s32 $0x1400, s6;
	[sflag:s24] =	ssyncadd.s32 $0xFFFFC180  }
0x54: {  	[spmem:s2] =	stream.indirect.scatter.add.f32 [tilespmem:s21], [sflag:$0x3], $0x80, s7, s20, $0xb8;
	[tilespmem:$0x1E700] =	vst v63  }
0x55: {  	_ = 	snop  }
0x56: {  	[spmem:s3] =	stream.indirect.scatter.add.f32 [tilespmem:s25], [sflag:$0x5], $0x1, s7, s20, $0xb8;
	[tilespmem:$0x1E700] =	vst v63  }
0x57: {  	_ =	swait.ge [sflag:s17], $0x7D  }
0x58: {  	[sflag:s17] =	ssyncset.done $0x0  }
0x59: {  	[sflag:s17] =	ssyncadd.s32 $0xFFFFFF83  }
0x5a: {  	_ =	swait.ge [sflag:s26], $0x3E80  }
0x5b: {  	[sflag:s26] =	ssyncset.done $0x0  }
0x5c: {  	s7 =	sadd.s32 $0x1480, s6;
	[sflag:s26] =	ssyncadd.s32 $0xFFFFC180  }
0x5d: {  	[spmem:s2] =	stream.indirect.scatter.add.f32 [tilespmem:s23], [sflag:$0x4], $0x80, s7, s20, $0xb8;
	[tilespmem:$0x1E700] =	vst v63  }
0x5e: {  	_ = 	snop  }
0x5f: {  	[spmem:s3] =	stream.indirect.scatter.add.f32 [tilespmem:s25], [sflag:$0x5], $0x1, s7, s20, $0xb8;
	[tilespmem:$0x1E700] =	vst v63  }
0x60: {  	_ =	swait.ge [sflag:s17], $0x7D  }
0x61: {  	[sflag:s17] =	ssyncset.done $0x0  }
0x62: {  	[sflag:s17] =	ssyncadd.s32 $0xFFFFFF83  }
0x63: {  	_ =	swait.ge [sflag:s28], $0x3E80  }
0x64: {  	[sflag:s28] =	ssyncset.done $0x0  }
.Ltmp0:
0x65: {  	s7 =	sadd.s32 $0x100, s6;
	[sflag:s28] =	ssyncadd.s32 $0xFFFFC180;
	(pc) =	sbr.rel @p0 .LBB2_2-.Ltmp0, $4  }
0x66: {  	[tilespmem:s21], [sflag:$0x1] =	stream.indirect.gather [hbm4b:s1+s20], $0x80, s7, s20, $0xb8;
	[tilespmem:$0x1E700] =	vst v63  }
0x67: {  	_ =	swait.ge [sflag:s29], $0x3E80  }
0x68: {  	[sflag:s29] =	ssyncset.done $0x0  }
0x69: {  	s6 =	sadd.s32 $0x180, s6;
	[sflag:s29] =	ssyncadd.s32 $0xFFFFC180  }
0x6a: {  	[tilespmem:s23], [sflag:$0x2] =	stream.indirect.gather [hbm4b:s1+s20], $0x80, s6, s20, $0xb8;
	[tilespmem:$0x1E700] =	vst v63  }
0x6b: {  	_ =	swait.ge [sflag:s24], $0x3E80  }
0x6c: {  	[sflag:s24] =	ssyncset.done $0x0  }
0x6d: {  	[sflag:s24] =	ssyncadd.s32 $0xFFFFC180  }
0x6e: {  	[spmem:s2] =	stream.indirect.scatter.add.f32 [tilespmem:s21], [sflag:$0x3], $0x80, s30, s20, $0xb8;
	[tilespmem:$0x1E700] =	vst v63  }
0x6f: {  	_ = 	snop  }
0x70: {  	[spmem:s3] =	stream.indirect.scatter.add.f32 [tilespmem:s25], [sflag:$0x5], $0x1, s30, s20, $0xb8;
	[tilespmem:$0x1E700] =	vst v63  }
0x71: {  	_ =	swait.ge [sflag:s17], $0x7D  }
0x72: {  	[sflag:s17] =	ssyncset.done $0x0  }
0x73: {  	[sflag:s17] =	ssyncadd.s32 $0xFFFFFF83  }
0x74: {  	_ =	swait.ge [sflag:s26], $0x3E80  }
0x75: {  	[sflag:s26] =	ssyncset.done $0x0  }
0x76: {  	[sflag:s26] =	ssyncadd.s32 $0xFFFFC180  }
0x77: {  	[spmem:s2] =	stream.indirect.scatter.add.f32 [tilespmem:s23], [sflag:$0x4], $0x80, s31, s20, $0xb8;
	[tilespmem:$0x1E700] =	vst v63  }
0x78: {  	_ = 	snop  }
0x79: {  	[spmem:s3] =	stream.indirect.scatter.add.f32 [tilespmem:s25], [sflag:$0x5], $0x1, s31, s20, $0xb8;
	[tilespmem:$0x1E700] =	vst v63  }
0x7a: {  	_ =	swait.ge [sflag:s17], $0x7D  }
0x7b: {  	[sflag:s17] =	ssyncset.done $0x0  }
0x7c: {  	[sflag:s17] =	ssyncadd.s32 $0xFFFFFF83  }
0x7d: {  	_ =	swait.ge [sflag:s28], $0x3E80  }
0x7e: {  	[sflag:s28] =	ssyncset.done $0x0  }
0x7f: {  	[sflag:s28] =	ssyncadd.s32 $0xFFFFC180  }
0x80: {  	_ =	swait.ge [sflag:s29], $0x3E80  }
0x81: {  	[sflag:s29] =	ssyncset.done $0x0  }
0x82: {  	s4 =	simm.s32 $0x0;
	[sflag:s29] =	ssyncadd.s32 $0xFFFFC180  }
0x83: {  	[tilespmem:s4], [sflag:$0x5] =	stream.linear.gather [hbm4b:s11+s4], $0x1400, $0x38;
	[tilespmem:$0x1E700] =	vst v63  }
0x84: {  	_ =	swait.ge [sflag:s17], $0x1400  }
0x85: {  	[sflag:s17] =	ssyncset.done $0x0  }
0x86: {  	[sflag:s17] =	ssyncadd.s32 $0xFFFFEC00  }
0x87: {  	[tilespmem:s19], [sflag:$0x5] =	stream.linear.gather [hbm4b:s12+s4], $0x1400, $0x38;
	[tilespmem:$0x1E700] =	vst v63  }
0x88: {  	_ =	swait.ge [sflag:s17], $0x1400  }
0x89: {  	[sflag:s17] =	ssyncset.done $0x0  }
0x8a: {  	[sflag:s17] =	ssyncadd.s32 $0xFFFFEC00  }
0x8b: {  	[tilespmem:s21], [sflag:$0x1] =	stream.indirect.gather [hbm4b:s1+s20], $0x80, s4, s20, $0xb8;
	[tilespmem:$0x1E700] =	vst v63  }
0x8c: {  	_ = 	snop  }
0x8d: {  	[tilespmem:s23], [sflag:$0x2] =	stream.indirect.gather [hbm4b:s1+s20], $0x80, s22, s20, $0xb8;
	[tilespmem:$0x1E700] =	vst v63  }
0x8e: {  	_ =	swait.ge [sflag:s24], $0x3E80  }
0x8f: {  	[sflag:s24] =	ssyncset.done $0x0  }
0x90: {  	s7 =	simm.s32 $0x1400;
	[sflag:s24] =	ssyncadd.s32 $0xFFFFC180  }
0x91: {  	[spmem:s2] =	stream.indirect.scatter.add.f32 [tilespmem:s21], [sflag:$0x3], $0x80, s7, s20, $0xb8;
	[tilespmem:$0x1E700] =	vst v63  }
0x92: {  	_ = 	snop  }
0x93: {  	[spmem:s3] =	stream.indirect.scatter.add.f32 [tilespmem:s25], [sflag:$0x5], $0x1, s7, s20, $0xb8;
	[tilespmem:$0x1E700] =	vst v63  }
0x94: {  	_ =	swait.ge [sflag:s17], $0x7D  }
0x95: {  	[sflag:s17] =	ssyncset.done $0x0  }
0x96: {  	[sflag:s17] =	ssyncadd.s32 $0xFFFFFF83  }
0x97: {  	_ =	swait.ge [sflag:s26], $0x3E80  }
0x98: {  	[sflag:s26] =	ssyncset.done $0x0  }
0x99: {  	s6 =	simm.s32 $0x1480;
	[sflag:s26] =	ssyncadd.s32 $0xFFFFC180  }
0x9a: {  	[spmem:s2] =	stream.indirect.scatter.add.f32 [tilespmem:s23], [sflag:$0x4], $0x80, s6, s20, $0xb8;
	[tilespmem:$0x1E700] =	vst v63  }
0x9b: {  	_ = 	snop  }
0x9c: {  	[spmem:s3] =	stream.indirect.scatter.add.f32 [tilespmem:s25], [sflag:$0x5], $0x1, s6, s20, $0xb8;
	[tilespmem:$0x1E700] =	vst v63  }
0x9d: {  	_ =	swait.ge [sflag:s17], $0x7D  }
0x9e: {  	[sflag:s17] =	ssyncset.done $0x0  }
0x9f: {  	[sflag:s17] =	ssyncadd.s32 $0xFFFFFF83  }
0xa0: {  	_ =	swait.ge [sflag:s28], $0x3E80  }
0xa1: {  	[sflag:s28] =	ssyncset.done $0x0  }
0xa2: {  	s7 =	simm.s32 $0x100;
	[sflag:s28] =	ssyncadd.s32 $0xFFFFC180  }
0xa3: {  	[tilespmem:s21], [sflag:$0x1] =	stream.indirect.gather [hbm4b:s1+s20], $0x80, s7, s20, $0xb8;
	[tilespmem:$0x1E700] =	vst v63  }
0xa4: {  	_ =	swait.ge [sflag:s29], $0x3E80  }
0xa5: {  	[sflag:s29] =	ssyncset.done $0x0  }
0xa6: {  	s4 =	simm.s32 $0x400;
	s6 =	simm.s32 $0x180;
	[sflag:s29] =	ssyncadd.s32 $0xFFFFC180  }
.LBB2_4:
0xa7: {  	[tilespmem:s23], [sflag:$0x2] =	stream.indirect.gather [hbm4b:s1+s20], $0x80, s6, s20, $0xb8;
	[tilespmem:$0x1E700] =	vst v63  }
0xa8: {  	s6 =	smov.u32 s4  }
0xa9: {  	p0 =	sne.s32 s4, $0x4800;
	s4 =	sadd.s32 $0x400, s4;
	_ =	swait.ge [sflag:s24], $0x3E80  }
0xaa: {  	s6 =	sshra.s32 s6, $0x2;
	[sflag:s24] =	ssyncset.done $0x0  }
0xab: {  	s7 =	sadd.s32 $0x1400, s6;
	[sflag:s24] =	ssyncadd.s32 $0xFFFFC180  }
0xac: {  	[spmem:s2] =	stream.indirect.scatter.add.f32 [tilespmem:s21], [sflag:$0x3], $0x80, s7, s20, $0xb8;
	[tilespmem:$0x1E700] =	vst v63  }
0xad: {  	_ = 	snop  }
0xae: {  	[spmem:s3] =	stream.indirect.scatter.add.f32 [tilespmem:s25], [sflag:$0x5], $0x1, s7, s20, $0xb8;
	[tilespmem:$0x1E700] =	vst v63  }
0xaf: {  	_ =	swait.ge [sflag:s17], $0x7D  }
0xb0: {  	[sflag:s17] =	ssyncset.done $0x0  }
0xb1: {  	[sflag:s17] =	ssyncadd.s32 $0xFFFFFF83  }
0xb2: {  	_ =	swait.ge [sflag:s26], $0x3E80  }
0xb3: {  	[sflag:s26] =	ssyncset.done $0x0  }
0xb4: {  	s7 =	sadd.s32 $0x1480, s6;
	[sflag:s26] =	ssyncadd.s32 $0xFFFFC180  }
0xb5: {  	[spmem:s2] =	stream.indirect.scatter.add.f32 [tilespmem:s23], [sflag:$0x4], $0x80, s7, s20, $0xb8;
	[tilespmem:$0x1E700] =	vst v63  }
0xb6: {  	_ = 	snop  }
0xb7: {  	[spmem:s3] =	stream.indirect.scatter.add.f32 [tilespmem:s25], [sflag:$0x5], $0x1, s7, s20, $0xb8;
	[tilespmem:$0x1E700] =	vst v63  }
0xb8: {  	_ =	swait.ge [sflag:s17], $0x7D  }
0xb9: {  	[sflag:s17] =	ssyncset.done $0x0  }
0xba: {  	[sflag:s17] =	ssyncadd.s32 $0xFFFFFF83  }
0xbb: {  	_ =	swait.ge [sflag:s28], $0x3E80  }
0xbc: {  	[sflag:s28] =	ssyncset.done $0x0  }
.Ltmp1:
0xbd: {  	s7 =	sadd.s32 $0x100, s6;
	[sflag:s28] =	ssyncadd.s32 $0xFFFFC180;
	(pc) =	sbr.rel @p0 .LBB2_4-.Ltmp1, $4  }
0xbe: {  	[tilespmem:s21], [sflag:$0x1] =	stream.indirect.gather [hbm4b:s1+s20], $0x80, s7, s20, $0xb8;
	[tilespmem:$0x1E700] =	vst v63  }
0xbf: {  	_ =	swait.ge [sflag:s29], $0x3E80  }
0xc0: {  	[sflag:s29] =	ssyncset.done $0x0  }
0xc1: {  	s6 =	sadd.s32 $0x180, s6;
	[sflag:s29] =	ssyncadd.s32 $0xFFFFC180  }
0xc2: {  	[tilespmem:s23], [sflag:$0x2] =	stream.indirect.gather [hbm4b:s1+s20], $0x80, s6, s20, $0xb8;
	[tilespmem:$0x1E700] =	vst v63  }
0xc3: {  	_ =	swait.ge [sflag:s24], $0x3E80  }
0xc4: {  	[sflag:s24] =	ssyncset.done $0x0  }
0xc5: {  	[sflag:s24] =	ssyncadd.s32 $0xFFFFC180  }
0xc6: {  	[spmem:s2] =	stream.indirect.scatter.add.f32 [tilespmem:s21], [sflag:$0x3], $0x80, s30, s20, $0xb8;
	[tilespmem:$0x1E700] =	vst v63  }
0xc7: {  	_ = 	snop  }
0xc8: {  	[spmem:s3] =	stream.indirect.scatter.add.f32 [tilespmem:s25], [sflag:$0x5], $0x1, s30, s20, $0xb8;
	[tilespmem:$0x1E700] =	vst v63  }
0xc9: {  	_ =	swait.ge [sflag:s17], $0x7D  }
0xca: {  	[sflag:s17] =	ssyncset.done $0x0  }
0xcb: {  	[sflag:s17] =	ssyncadd.s32 $0xFFFFFF83  }
0xcc: {  	_ =	swait.ge [sflag:s26], $0x3E80  }
0xcd: {  	[sflag:s26] =	ssyncset.done $0x0  }
0xce: {  	[sflag:s26] =	ssyncadd.s32 $0xFFFFC180  }
0xcf: {  	[spmem:s2] =	stream.indirect.scatter.add.f32 [tilespmem:s23], [sflag:$0x4], $0x80, s31, s20, $0xb8;
	[tilespmem:$0x1E700] =	vst v63  }
0xd0: {  	_ = 	snop  }
0xd1: {  	[spmem:s3] =	stream.indirect.scatter.add.f32 [tilespmem:s25], [sflag:$0x5], $0x1, s31, s20, $0xb8;
	[tilespmem:$0x1E700] =	vst v63  }
0xd2: {  	_ =	swait.ge [sflag:s17], $0x7D  }
0xd3: {  	[sflag:s17] =	ssyncset.done $0x0  }
0xd4: {  	[sflag:s17] =	ssyncadd.s32 $0xFFFFFF83  }
0xd5: {  	_ =	swait.ge [sflag:s28], $0x3E80  }
0xd6: {  	[sflag:s28] =	ssyncset.done $0x0  }
0xd7: {  	[sflag:s28] =	ssyncadd.s32 $0xFFFFC180  }
0xd8: {  	_ =	swait.ge [sflag:s29], $0x3E80  }
0xd9: {  	[sflag:s29] =	ssyncset.done $0x0  }
0xda: {  	[sflag:s29] =	ssyncadd.s32 $0xFFFFC180  }
0xdb: {  	[bflag:$0x0] =	sbarrier.arrive $0xFFFF  }
0xdc: {  	[hbm:s13], [sflag:s8] =	dma.local [spmem:s16], $0x2780  }
0xdd: {  	s0 =	sadd.s32 $0x1, s0;
	_ =	swait.ge [sflag:s17], $0x2780  }
0xde: {  	p0 =	sne.s32 s0, s15;
	[sflag:s17] =	ssyncset.done $0x0  }
.Ltmp2:
0xdf: {  	[sflag:s17] =	ssyncadd.s32 $0xFFFFD880;
	(pc) =	sbr.rel @p0 .LBB2_1-.Ltmp2, $4  }
0xe0: {  	[hbm:s14], [sflag:s8] =	dma.local [spmem:s18], $0x50  }
0xe1: {  	_ =	swait.ge [sflag:s17], $0x50  }
0xe2: {  	[sflag:s17] =	ssyncset.done $0x0  }
0xe3: {  	[sflag:s17] =	ssyncadd.s32 $0xFFFFFFB0  }
0xe4: {  	_ =	sfence.sel $0x180000  }
0xe5: {  	[bflag:$0x0] =	sbarrier.arrive $0xFFFF  }
0xe6: {  	_ =	strace $0x90000047  }
0xe7: {  	s0 =	stileid.u32;
	[bflag:$0x2] =	sbarrier.arrive $0xFFFF  }
0xe8: {  	p0 =	sne.s32 s0, $0x0;
	s0 =	rddreg [dreg:$0x5]  }
0xe9: {  	s0 =	sadd.s32 @!p0 $0x100000, s0  }
0xea: {  	[sflag:s0] =	ssyncadd.tile.s32 @!p0 $0x1;
	_ =	shalt  }
.Lfunc_end2:
_tile_overlayer_lowered:
.L_overlay_start_2:
0xeb: {  	(tag) =	ssettag $0x2  }
0xec: {  	s0 =	rddreg [dreg:$0x0];
	s2 =	stileid.u32  }
0xed: {  	s1 =	rddreg [dreg:$0x1];
	p0 =	sne.s32 s2, $0x0  }
0xee: {  	s3 =	rddreg [dreg:$0x2];
	[bflag:$0x3] =	sbarrier.arrive $0xFFFF;
	s2 =	simm.s32 @!p0 $0x1C05  }
0xef: {  	[timem:s3], [sflag:s2] =	dma.local @!p0 [hbm:s0], s1  }
0xf0: {  	s0 =	simm.s32 @!p0 $0x5  }
0xf1: {  	_ =	swait.ge @!p0 [sflag:s0], s1  }
0xf2: {  	s1 =	ssub.s32 @!p0 $0x0, s1;
	[sflag:s0] =	ssyncset.done @!p0 $0x0  }
0xf3: {  	[sflag:s0] =	ssyncadd.s32 @!p0 s1  }
0xf4: {  	[bflag:$0x3] =	sbarrier.arrive $0xFFFF  }
0xf5: {  	_ =	shalt  }

// kernel: kernel.9.cloned.1.call-start
scs
__scs_entry_jumppad:
0x0: {  	(pc) =	sbr.rel $0x88, $3  }
0x1: {  	(tag) =	ssettag $0x0;
	lr =	simm.s32 $0x1  }
0x2: {  	[smem:$0x3F95] =	sst lr;
	_ =	strace $0xD0000000  }
0x3: {  	_ = 	snop  }
0x4: {  	_ = 	snop  }
0x5: {  	_ = 	snop  }
0x6: {  	_ = 	snop  }
0x7: {  	_ = 	snop  }
__scs_overlays_trampoline_lowered:
0x8: {  	[smem:$0x3FA4] =	sst s0  }
0x9: {  	[smem:$0x3FA5] =	sst s1  }
0xa: {  	[smem:$0x3FA6] =	sst s2  }
0xb: {  	[smem:$0x3FA7] =	sst s3  }
0xc: {  	[smem:$0x3FA8] =	sst s4  }
0xd: {  	[smem:$0x3FA9] =	sst s5  }
0xe: {  	[smem:$0x3FAA] =	sst s6  }
0xf: {  	[smem:$0x3FAB] =	sst s7  }
0x10: {  	[smem:$0x3FAC] =	sst s8  }
0x11: {  	[smem:$0x3FAD] =	sst s9;
	s0 =	simm.s32 @!p0 $0x0  }
0x12: {  	s1 =	sld [smem:$0x3F93];
	s0 =	simm.s32 @p0 $0x1  }
0x13: {  	[smem:$0x3FAE] =	sst s0;
	s0 =	simm.s32 @!p1 $0x0  }
0x14: {  	s2 =	sld [smem:$0x3F92];
	s0 =	simm.s32 @p1 $0x1  }
0x15: {  	[smem:$0x3FAF] =	sst s0;
	s0 =	simm.s32 @!p2 $0x0  }
0x16: {  	s3 =	sld [smem:$0x3FDB];
	s0 =	simm.s32 @p2 $0x1  }
0x17: {  	s4 =	simm.s32 $0x1BF5;
	[smem:$0x3FB1] =	sst s0  }
0x18: {  	s0 =	sld [smem:$0x3F94];
	_ =	swait.ge [sflag:s4], $0x0  }
0x19: {  	s7 =	sld [smem:$0x3F95]  }
0x1a: {  	s8 =	sadd.s32 $0xFFFFE003, lr  }
0x1b: {  	s9 =	sadd.s32 $0xFFFFFEF7, lr;
	s5 =	simm.s32 $0xFFFFFFFF;
	p2 =	slt.u32 s8, $0xFFFFF086  }
0x1c: {  	p1 =	slt.u32 s9, $0xF7A;
	s5 =	simm.s32 @!p2 $0x0  }
0x1d: {  	s5 =	simm.s32 @p1 $0x1;
	p0 =	seq.s32 s7, s2  }
0x1e: {  	s7 =	smul.u32 @!p0 $0xF7A, s2;
	p2 =	seq.s32 @!p0 s5, $0x0  }
0x1f: {  	s9 =	smul.u32 $0xF7A, s1;
	s8 =	simm.s32 @!p0 $0x1BF5;
	p2 =	por !p2, p0  }
0x20: {  	[sflag:s8] =	ssyncset.s32 @!p0 $0xFFFFF086;
	s6 =	sadd.s32 @!p0 s3, s7;
	s7 =	simm.s32 @!p0 $0x108  }
0x21: {  	s3 =	sadd.s32 s3, s9;
	s6 =	sadd.s32 @!p0 $0x88, s6;
	s7 =	simm.s32 @p2 $0x1082  }
0x22: {  	[simem:s7], [sflag:s8] =	dma.local @!p0 [hbm:s6], $0xF7A  }
0x23: {  	s9 =	sor.u32 $0xD0000000, s2;
	s6 =	simm.s32 $0x108;
	_ =	swait.ge @!p0 [sflag:s8], $0x0  }
0x24: {  	s3 =	sadd.s32 $0x88, s3;
	s6 =	simm.s32 @!p1 $0x1082;
	[sflag:s4] =	ssyncset.s32 $0xFFFFF086  }
0x25: {  	[simem:s6], [sflag:s4] =	dma.local [hbm:s3], $0xF7A  }
0x26: {  	[smem:$0x3F95] =	sst s1;
	(tag) =	ssettag s2;
	_ =	strace s9  }
0x27: {  	s1 =	sld [smem:$0x3FA5]  }
0x28: {  	s2 =	sld [smem:$0x3FA6]  }
0x29: {  	s4 =	sld [smem:$0x3FA8]  }
0x2a: {  	p0 =	seq.s32 s5, $0x0;
	s5 =	sld [smem:$0x3FA9]  }
0x2b: {  	s6 =	sld [smem:$0x3FAA]  }
0x2c: {  	s7 =	sld [smem:$0x3FAB]  }
0x2d: {  	s3 =	simm.s32 $0x108;
	s8 =	sld [smem:$0x3FAC]  }
0x2e: {  	s3 =	simm.s32 @!p0 $0x1082;
	s9 =	sld [smem:$0x3FAD]  }
0x2f: {  	lr =	sadd.s32 s0, s3;
	s0 =	sld [smem:$0x3FA4]  }
0x30: {  	s3 =	sld [smem:$0x3FA7]  }
0x31: {  	[smem:$0x3FB0] =	sst s10  }
0x32: {  	s10 =	sld [smem:$0x3FAE];
	_ =	sdelay $0x3  }
0x33: {  	p0 =	seq.s32 s10, $0x1;
	s10 =	sld [smem:$0x3FB0];
	_ =	sdelay $0x3  }
0x34: {  	[smem:$0x3FB0] =	sst s10  }
0x35: {  	s10 =	sld [smem:$0x3FAF];
	_ =	sdelay $0x3  }
0x36: {  	p1 =	seq.s32 s10, $0x1;
	s10 =	sld [smem:$0x3FB0];
	_ =	sdelay $0x3  }
0x37: {  	[smem:$0x3FB0] =	sst s10  }
0x38: {  	s10 =	sld [smem:$0x3FB1]  }
0x39: {  	_ = 	snop;
	(pc) =	sbr.ind lr, $3  }
0x3a: {  	_ = 	snop  }
0x3b: {  	_ = 	snop  }
0x3c: {  	p2 =	seq.s32 s10, $0x1;
	s10 =	sld [smem:$0x3FB0]  }
0x3d: {  	_ =	shalt  }
0x3e: {  	_ =	shalt  }
0x3f: {  	_ =	shalt  }
0x40: {  	_ =	shalt  }
0x41: {  	_ =	shalt  }
0x42: {  	_ =	shalt  }
0x43: {  	_ =	shalt  }
0x44: {  	_ =	shalt  }
0x45: {  	_ =	shalt  }
0x46: {  	_ =	shalt  }
0x47: {  	_ =	shalt  }
0x48: {  	_ =	shalt  }
0x49: {  	_ =	shalt  }
0x4a: {  	_ =	shalt  }
0x4b: {  	_ =	shalt  }
0x4c: {  	_ =	shalt  }
0x4d: {  	_ =	shalt  }
0x4e: {  	_ =	shalt  }
0x4f: {  	_ =	shalt  }
0x50: {  	_ =	shalt  }
0x51: {  	_ =	shalt  }
0x52: {  	_ =	shalt  }
0x53: {  	_ =	shalt  }
0x54: {  	_ =	shalt  }
0x55: {  	_ =	shalt  }
0x56: {  	_ =	shalt  }
0x57: {  	_ =	shalt  }
0x58: {  	_ =	shalt  }
0x59: {  	_ =	shalt  }
0x5a: {  	_ =	shalt  }
0x5b: {  	_ =	shalt  }
0x5c: {  	_ =	shalt  }
0x5d: {  	_ =	shalt  }
0x5e: {  	_ =	shalt  }
0x5f: {  	_ =	shalt  }
0x60: {  	_ =	shalt  }
0x61: {  	_ =	shalt  }
0x62: {  	_ =	shalt  }
0x63: {  	_ =	shalt  }
0x64: {  	_ =	shalt  }
0x65: {  	_ =	shalt  }
0x66: {  	_ =	shalt  }
0x67: {  	_ =	shalt  }
0x68: {  	_ =	shalt  }
0x69: {  	_ =	shalt  }
0x6a: {  	_ =	shalt  }
0x6b: {  	_ =	shalt  }
0x6c: {  	_ =	shalt  }
0x6d: {  	_ =	shalt  }
0x6e: {  	_ =	shalt  }
0x6f: {  	_ =	shalt  }
0x70: {  	_ =	shalt  }
0x71: {  	_ =	shalt  }
0x72: {  	_ =	shalt  }
0x73: {  	_ =	shalt  }
0x74: {  	_ =	shalt  }
0x75: {  	_ =	shalt  }
0x76: {  	_ =	shalt  }
0x77: {  	_ =	shalt  }
0x78: {  	_ =	shalt  }
0x79: {  	_ =	shalt  }
0x7a: {  	_ =	shalt  }
0x7b: {  	_ =	shalt  }
0x7c: {  	_ =	shalt  }
0x7d: {  	_ =	shalt  }
0x7e: {  	_ =	shalt  }
0x7f: {  	_ =	shalt  }
0x80: {  	_ =	shalt  }
0x81: {  	_ =	shalt  }
0x82: {  	_ =	shalt  }
0x83: {  	_ =	shalt  }
0x84: {  	_ =	shalt  }
0x85: {  	_ =	shalt  }
0x86: {  	_ =	shalt  }
0x87: {  	_ =	shalt  }
.Lfunc_end0:
.L_simem_size_0:
called_computation.1_lowered:
.L_overlay_start_0:
0x88: {  	s2 =	sld [smem:$0x3FD9]  }
0x89: {  	s3 =	sld [smem:$0x3FFE];
	_ =	sdelay $0x1  }
0x8a: {  	s1 =	srdreg.scid  }
0x8b: {  	s0 =	sand.u32 $0x1, s1  }
0x8c: {  	s17 =	sshll.u32 s0, $0xA;
	s2 =	sadd.s32 s3, s2  }
0x8d: {  	s2 =	sadd.s32 s2, s17  }
0x8e: {  	[smem:$0x3FBC] =	sst s2  }
0x8f: {  	_ = 	snop  }
0x90: {  	s2 =	sld [smem:$0x3FD0];
	(tm) =	ssettm $0x1  }
0x91: {  	s18 =	sld [smem:$0x3FFB];
	_ =	sdelay $0x3  }
0x92: {  	_ =	strace s18  }
0x93: {  	s3 =	sld [smem:$0x3FFC];
	_ =	sdelay $0x3  }
0x94: {  	_ =	strace s3  }
0x95: {  	s3 =	sld [smem:$0x3FFD];
	_ =	sdelay $0x3  }
0x96: {  	_ =	strace s3  }
0x97: {  	_ =	strace $0x8FFFFFFF  }
0x98: {  	s19 =	sld [smem:$0x3FDB];
	_ =	sdelay $0x1  }
0x99: {  	s4 =	simm.s32 $_scs_section_size  }
0x9a: {  	s5 =	simm.s32 $_size__tile_overlayer_lowered;
	s6 =	simm.s32 $_tile_overlayer_lowered  }
0x9b: {  	s22 =	simm.s32 $0x1BFF;
	s21 =	sshll.u32 s6, $0x1;
	s3 =	sadd.s32 s4, s19  }
0x9c: {  	s7 =	simm.s32 $0x0;
	s20 =	sshll.u32 s5, $0x1;
	s5 =	sadd.s32 s21, s3  }
0x9d: {  	[timem:s7], [sflag:s22] =	dma.local [hbm:s5], s20  }
0x9e: {  	_ =	swait.ge [sflag:s22], s20  }
0x9f: {  	s4 =	ssub.s32 $0x0, s20;
	[sflag:s22] =	ssyncset.done $0x0  }
0xa0: {  	[sflag:s22] =	ssyncadd.s32 s4;
	_ =	sdelay $0x1  }
0xa1: {  	s23 =	simm.s32 $0x1B8B  }
0xa2: {  	_ =	swait.ge [sflag:s23], $0x1  }
0xa3: {  	[sflag:s23] =	ssyncset.done $0x0  }
0xa4: {  	s25 =	simm.s32 $0x1B8E;
	s24 =	sld [smem:$0x3FFE];
	[sflag:s23] =	ssyncadd.s32 $0xFFFFFFFF  }
0xa5: {  	s26 =	simm.s32 $execute0_lowered;
	[smem:$0x3FD2] =	sst s25  }
0xa6: {  	s5 =	sshll.u32 s26, $0x1;
	_ =	strace $0x80000049;
	[dreg:$0x1] =	wrdreg $0xFFFFFFFF  }
0xa7: {  	s28 =	simm.s32 $_size_execute0_lowered;
	s3 =	sadd.s32 s3, s5;
	[dreg:$0x0] =	wrdreg $0x0  }
0xa8: {  	s5 =	sshll.u32 s28, $0x1;
	[dreg:$0x2] =	wrdreg s3  }
0xa9: {  	[dreg:$0x3] =	wrdreg s5  }
0xaa: {  	[dreg:$0x4] =	wrdreg $0xC0  }
0xab: {  	_ =	task [dreg:s7], $0x5FFFF  }
0xac: {  	[dreg:$0x1] =	wrdreg $0xFFFFFFFF  }
0xad: {  	[dreg:$0x0] =	wrdreg $0x60  }
0xae: {  	[dreg:$0x2] =	wrdreg s2  }
0xaf: {  	[dreg:$0x3] =	wrdreg s24  }
0xb0: {  	[dreg:$0x4] =	wrdreg $0xA8000  }
0xb1: {  	[dreg:$0x5] =	wrdreg $0x9  }
0xb2: {  	_ =	task.clear_ibuf [dreg:s7], $0x6FFFF;
	_ =	strace $0x90000049  }
0xb3: {  	s29 =	simm.s32 $0x9;
	_ =	strace $0x8000004B  }
0xb4: {  	_ =	swait.ge [sflag:s29], $0x1  }
0xb5: {  	[sflag:s29] =	ssyncadd.s32 $0xFFFFFFFF  }
0xb6: {  	_ =	strace $0x9000004B  }
0xb7: {  	_ =	sfence  }
0xb8: {  	s30 =	sld [smem:$0x0];
	_ =	sdelay $0x2  }
0xb9: {  	s31 =	sshll.u32 s1, $0xD;
	s1 =	sshrl.u32 s1, $0x2  }
0xba: {  	s3 =	sand.u32 $0x4000, s31;
	s1 =	sadd.s32 s1, s30  }
0xbb: {  	s0 =	sor.u32 s3, s0;
	s1 =	sshll.u32 s1, $0x11  }
0xbc: {  	s0 =	sor.u32 s1, s0  }
0xbd: {  	s0 =	sadd.s32 $0x8F2B, s0  }
0xbe: {  	[sflag:s0] =	ssyncadd.remote.s32 $0x1  }
0xbf: {  	_ =	sfence.sel $0xFFFF  }
0xc0: {  	[dreg:$0x0] =	wrdreg $0xFFFFFFFF;
	(pc) =	sbr.abs _section_cstart, $3  }
0xc1: {  	[dreg:$0x1] =	wrdreg $0xFFFFFFFF  }
0xc2: {  	_ =	task.clear_ibuf [dreg:s7], $0x2FFFF;
	_ =	strace $0x9FFFFFFF  }
0xc3: {  	(tm) =	ssettm $0x7FFFFFFF  }
tec
execute0_lowered:
.L_overlay_start_1:
0x0: {  	(tag) =	ssettag $0x1  }
0x1: {  	s1 =	rddreg [dreg:$0x0]  }
0x2: {  	s6 =	rddreg [dreg:$0x1]  }
0x3: {  	s2 =	rddreg [dreg:$0x2]  }
0x4: {  	s3 =	srdreg.scid;
	s0 =	rddreg [dreg:$0x3];
	s4 =	simm.s32 $0x0  }
0x5: {  	s16 =	simm.s32 $0x7D;
	s17 =	simm.s32 $0x2800;
	s18 =	simm.s32 $0x80  }
0x6: {  	s19 =	simm.s32 $0x6800;
	s20 =	simm.s32 $0x1;
	s21 =	simm.s32 $0x2  }
0x7: {  	s22 =	simm.s32 $0x3;
	s23 =	simm.s32 $0x4;
	s24 =	simm.s32 $0x2700  }
0x8: {  	s25 =	simm.s32 $0x2780;
	s7 =	sand.u32 $0x1, s3;
	s3 =	stileid.u32  }
0x9: {  	s26 =	simm.s32 $0x0;
	[smem:$0x7FF] =	sst s4;
	s5 =	smul.u32 $0x13C000, s7  }
0xa: {  	s9 =	sadd.s32 $0xC800, s6;
	s10 =	sadd.s32 $0x2800, s6;
	s8 =	smul.u32 $0x13C00, s3  }
0xb: {  	_ =	strace $0x8000004A;
	s11 =	sshll.u32 s7, $0x4;
	s7 =	ssub.s32 $0x2, s7  }
0xc: {  	s12 =	smul.u32 $0x4F000, s3;
	s31 =	sshll.u32 s3, $0x6;
	s11 =	sor.u32 s3, s11  }
0xd: {  	s28 =	sshrl.u32 s7, $0x1;
	s8 =	sadd.s32 s8, s5;
	s5 =	sadd.s32 $0x16A00, s6  }
0xe: {  	s29 =	smul.u32 $0x2800, s11;
	s14 =	ssub.s32 s7, s28;
	s30 =	sshrl.u32 s12, $0x2  }
0xf: {  	s8 =	sshrl.u32 s8, $0x3;
	s15 =	sadd.s32 s30, s2;
	s12 =	smax.u32 s14, $0x1  }
0x10: {  	s14 =	simm.s32 $0x5;
	s13 =	sadd.s32 s8, s6;
	s11 =	sshrl.u32 s29, $0x3  }
0x11: {  	s7 =	sadd.s32 s9, s11;
	s8 =	sadd.s32 s10, s11;
	s11 =	sadd.s32 $0x280, s11  }
0x12: {  	s6 =	sor.u32 $0x1C05, s31;
	s9 =	sadd.s32 s9, s11;
	s10 =	sadd.s32 s10, s11  }
0x13: {  	s11 =	sadd.s32 $0x19200, s13;
	s13 =	sshrl.u32 s15, $0x3;
	s15 =	simm.s32 $0x1400  }
.LBB2_1:
0x14: {  	[spmem:s13], [sflag:s6] =	dma.local [hbm:s5], $0x2780  }
0x15: {  	_ =	swait.ge [sflag:s14], $0x2780  }
0x16: {  	[sflag:s14] =	ssyncset.done $0x0  }
0x17: {  	[sflag:s14] =	ssyncadd.s32 $0xFFFFD880  }
0x18: {  	[bflag:$0x0] =	sbarrier.arrive $0xFFFF  }
0x19: {  	[tilespmem:s4], [sflag:$0x5] =	stream.linear.gather [hbm4b:s7+s4], $0x1400, $0x38;
	[tilespmem:$0x1E400] =	vst v63  }
0x1a: {  	_ =	swait.ge [sflag:s14], $0x1400  }
0x1b: {  	[sflag:s14] =	ssyncset.done $0x0  }
0x1c: {  	[sflag:s14] =	ssyncadd.s32 $0xFFFFEC00  }
0x1d: {  	[tilespmem:s15], [sflag:$0x5] =	stream.linear.gather [hbm4b:s8+s4], $0x1400, $0x38;
	[tilespmem:$0x1E400] =	vst v63  }
0x1e: {  	_ =	swait.ge [sflag:s14], $0x1400  }
0x1f: {  	[sflag:s14] =	ssyncset.done $0x0  }
0x20: {  	[sflag:s14] =	ssyncadd.s32 $0xFFFFEC00  }
0x21: {  	[tilespmem:s17], [sflag:$0x1] =	stream.indirect.gather [hbm4b:s1+s16], $0x80, s4, s16, $0xb8;
	[tilespmem:$0x1E400] =	vst v63  }
0x22: {  	_ = 	snop  }
0x23: {  	[tilespmem:s19], [sflag:$0x2] =	stream.indirect.gather [hbm4b:s1+s16], $0x80, s18, s16, $0xb8;
	[tilespmem:$0x1E400] =	vst v63  }
0x24: {  	_ =	swait.ge [sflag:s20], $0x3E80  }
0x25: {  	[sflag:s20] =	ssyncset.done $0x0  }
0x26: {  	s28 =	simm.s32 $0x1400;
	[sflag:s20] =	ssyncadd.s32 $0xFFFFC180  }
0x27: {  	[spmem:s2] =	stream.indirect.scatter.add.f32 [tilespmem:s17], [sflag:$0x3], $0x80, s28, s16, $0xb8;
	[tilespmem:$0x1E400] =	vst v63  }
0x28: {  	_ =	swait.ge [sflag:s21], $0x3E80  }
0x29: {  	[sflag:s21] =	ssyncset.done $0x0  }
0x2a: {  	s28 =	simm.s32 $0x1480;
	[sflag:s21] =	ssyncadd.s32 $0xFFFFC180  }
0x2b: {  	[spmem:s2] =	stream.indirect.scatter.add.f32 [tilespmem:s19], [sflag:$0x4], $0x80, s28, s16, $0xb8;
	[tilespmem:$0x1E400] =	vst v63  }
0x2c: {  	_ =	swait.ge [sflag:s22], $0x3E80  }
0x2d: {  	[sflag:s22] =	ssyncset.done $0x0  }
0x2e: {  	s28 =	simm.s32 $0x100;
	[sflag:s22] =	ssyncadd.s32 $0xFFFFC180  }
0x2f: {  	[tilespmem:s17], [sflag:$0x1] =	stream.indirect.gather [hbm4b:s1+s16], $0x80, s28, s16, $0xb8;
	[tilespmem:$0x1E400] =	vst v63  }
0x30: {  	_ =	swait.ge [sflag:s23], $0x3E80  }
0x31: {  	[sflag:s23] =	ssyncset.done $0x0  }
0x32: {  	s29 =	simm.s32 $0x180;
	s28 =	simm.s32 $0x400;
	[sflag:s23] =	ssyncadd.s32 $0xFFFFC180  }
.LBB2_2:
0x33: {  	[tilespmem:s19], [sflag:$0x2] =	stream.indirect.gather [hbm4b:s1+s16], $0x80, s29, s16, $0xb8;
	[tilespmem:$0x1E400] =	vst v63  }
0x34: {  	s29 =	smov.u32 s28  }
0x35: {  	p0 =	sne.s32 s28, $0x4800;
	s28 =	sadd.s32 $0x400, s28;
	_ =	swait.ge [sflag:s20], $0x3E80  }
0x36: {  	s29 =	sshra.s32 s29, $0x2;
	[sflag:s20] =	ssyncset.done $0x0  }
0x37: {  	s30 =	sadd.s32 $0x1400, s29;
	[sflag:s20] =	ssyncadd.s32 $0xFFFFC180  }
0x38: {  	[spmem:s2] =	stream.indirect.scatter.add.f32 [tilespmem:s17], [sflag:$0x3], $0x80, s30, s16, $0xb8;
	[tilespmem:$0x1E400] =	vst v63  }
0x39: {  	_ =	swait.ge [sflag:s21], $0x3E80  }
0x3a: {  	[sflag:s21] =	ssyncset.done $0x0  }
0x3b: {  	s30 =	sadd.s32 $0x1480, s29;
	[sflag:s21] =	ssyncadd.s32 $0xFFFFC180  }
0x3c: {  	[spmem:s2] =	stream.indirect.scatter.add.f32 [tilespmem:s19], [sflag:$0x4], $0x80, s30, s16, $0xb8;
	[tilespmem:$0x1E400] =	vst v63  }
0x3d: {  	_ =	swait.ge [sflag:s22], $0x3E80  }
0x3e: {  	[sflag:s22] =	ssyncset.done $0x0  }
.Ltmp0:
0x3f: {  	s30 =	sadd.s32 $0x100, s29;
	[sflag:s22] =	ssyncadd.s32 $0xFFFFC180;
	(pc) =	sbr.rel @p0 .LBB2_2-.Ltmp0, $4  }
0x40: {  	[tilespmem:s17], [sflag:$0x1] =	stream.indirect.gather [hbm4b:s1+s16], $0x80, s30, s16, $0xb8;
	[tilespmem:$0x1E400] =	vst v63  }
0x41: {  	_ =	swait.ge [sflag:s23], $0x3E80  }
0x42: {  	[sflag:s23] =	ssyncset.done $0x0  }
0x43: {  	s29 =	sadd.s32 $0x180, s29;
	[sflag:s23] =	ssyncadd.s32 $0xFFFFC180  }
0x44: {  	[tilespmem:s19], [sflag:$0x2] =	stream.indirect.gather [hbm4b:s1+s16], $0x80, s29, s16, $0xb8;
	[tilespmem:$0x1E400] =	vst v63  }
0x45: {  	_ =	swait.ge [sflag:s20], $0x3E80  }
0x46: {  	[sflag:s20] =	ssyncset.done $0x0  }
0x47: {  	[sflag:s20] =	ssyncadd.s32 $0xFFFFC180  }
0x48: {  	[spmem:s2] =	stream.indirect.scatter.add.f32 [tilespmem:s17], [sflag:$0x3], $0x80, s24, s16, $0xb8;
	[tilespmem:$0x1E400] =	vst v63  }
0x49: {  	_ =	swait.ge [sflag:s21], $0x3E80  }
0x4a: {  	[sflag:s21] =	ssyncset.done $0x0  }
0x4b: {  	[sflag:s21] =	ssyncadd.s32 $0xFFFFC180  }
0x4c: {  	[spmem:s2] =	stream.indirect.scatter.add.f32 [tilespmem:s19], [sflag:$0x4], $0x80, s25, s16, $0xb8;
	[tilespmem:$0x1E400] =	vst v63  }
0x4d: {  	_ =	swait.ge [sflag:s22], $0x3E80  }
0x4e: {  	[sflag:s22] =	ssyncset.done $0x0  }
0x4f: {  	[sflag:s22] =	ssyncadd.s32 $0xFFFFC180  }
0x50: {  	_ =	swait.ge [sflag:s23], $0x3E80  }
0x51: {  	[sflag:s23] =	ssyncset.done $0x0  }
0x52: {  	s28 =	simm.s32 $0x0;
	[sflag:s23] =	ssyncadd.s32 $0xFFFFC180  }
0x53: {  	[tilespmem:s28], [sflag:$0x5] =	stream.linear.gather [hbm4b:s9+s28], $0x1400, $0x38;
	[tilespmem:$0x1E400] =	vst v63  }
0x54: {  	_ =	swait.ge [sflag:s14], $0x1400  }
0x55: {  	[sflag:s14] =	ssyncset.done $0x0  }
0x56: {  	[sflag:s14] =	ssyncadd.s32 $0xFFFFEC00  }
0x57: {  	[tilespmem:s15], [sflag:$0x5] =	stream.linear.gather [hbm4b:s10+s28], $0x1400, $0x38;
	[tilespmem:$0x1E400] =	vst v63  }
0x58: {  	_ =	swait.ge [sflag:s14], $0x1400  }
0x59: {  	[sflag:s14] =	ssyncset.done $0x0  }
0x5a: {  	[sflag:s14] =	ssyncadd.s32 $0xFFFFEC00  }
0x5b: {  	[tilespmem:s17], [sflag:$0x1] =	stream.indirect.gather [hbm4b:s1+s16], $0x80, s28, s16, $0xb8;
	[tilespmem:$0x1E400] =	vst v63  }
0x5c: {  	_ = 	snop  }
0x5d: {  	[tilespmem:s19], [sflag:$0x2] =	stream.indirect.gather [hbm4b:s1+s16], $0x80, s18, s16, $0xb8;
	[tilespmem:$0x1E400] =	vst v63  }
0x5e: {  	_ =	swait.ge [sflag:s20], $0x3E80  }
0x5f: {  	[sflag:s20] =	ssyncset.done $0x0  }
0x60: {  	s28 =	simm.s32 $0x1400;
	[sflag:s20] =	ssyncadd.s32 $0xFFFFC180  }
0x61: {  	[spmem:s2] =	stream.indirect.scatter.add.f32 [tilespmem:s17], [sflag:$0x3], $0x80, s28, s16, $0xb8;
	[tilespmem:$0x1E400] =	vst v63  }
0x62: {  	_ =	swait.ge [sflag:s21], $0x3E80  }
0x63: {  	[sflag:s21] =	ssyncset.done $0x0  }
0x64: {  	s28 =	simm.s32 $0x1480;
	[sflag:s21] =	ssyncadd.s32 $0xFFFFC180  }
0x65: {  	[spmem:s2] =	stream.indirect.scatter.add.f32 [tilespmem:s19], [sflag:$0x4], $0x80, s28, s16, $0xb8;
	[tilespmem:$0x1E400] =	vst v63  }
0x66: {  	_ =	swait.ge [sflag:s22], $0x3E80  }
0x67: {  	[sflag:s22] =	ssyncset.done $0x0  }
0x68: {  	s28 =	simm.s32 $0x100;
	[sflag:s22] =	ssyncadd.s32 $0xFFFFC180  }
0x69: {  	[tilespmem:s17], [sflag:$0x1] =	stream.indirect.gather [hbm4b:s1+s16], $0x80, s28, s16, $0xb8;
	[tilespmem:$0x1E400] =	vst v63  }
0x6a: {  	_ =	swait.ge [sflag:s23], $0x3E80  }
0x6b: {  	[sflag:s23] =	ssyncset.done $0x0  }
0x6c: {  	s29 =	simm.s32 $0x180;
	s28 =	simm.s32 $0x400;
	[sflag:s23] =	ssyncadd.s32 $0xFFFFC180  }
.LBB2_4:
0x6d: {  	[tilespmem:s19], [sflag:$0x2] =	stream.indirect.gather [hbm4b:s1+s16], $0x80, s29, s16, $0xb8;
	[tilespmem:$0x1E400] =	vst v63  }
0x6e: {  	s29 =	smov.u32 s28  }
0x6f: {  	p0 =	sne.s32 s28, $0x4800;
	s28 =	sadd.s32 $0x400, s28;
	_ =	swait.ge [sflag:s20], $0x3E80  }
0x70: {  	s29 =	sshra.s32 s29, $0x2;
	[sflag:s20] =	ssyncset.done $0x0  }
0x71: {  	s30 =	sadd.s32 $0x1400, s29;
	[sflag:s20] =	ssyncadd.s32 $0xFFFFC180  }
0x72: {  	[spmem:s2] =	stream.indirect.scatter.add.f32 [tilespmem:s17], [sflag:$0x3], $0x80, s30, s16, $0xb8;
	[tilespmem:$0x1E400] =	vst v63  }
0x73: {  	_ =	swait.ge [sflag:s21], $0x3E80  }
0x74: {  	[sflag:s21] =	ssyncset.done $0x0  }
0x75: {  	s30 =	sadd.s32 $0x1480, s29;
	[sflag:s21] =	ssyncadd.s32 $0xFFFFC180  }
0x76: {  	[spmem:s2] =	stream.indirect.scatter.add.f32 [tilespmem:s19], [sflag:$0x4], $0x80, s30, s16, $0xb8;
	[tilespmem:$0x1E400] =	vst v63  }
0x77: {  	_ =	swait.ge [sflag:s22], $0x3E80  }
0x78: {  	[sflag:s22] =	ssyncset.done $0x0  }
.Ltmp1:
0x79: {  	s30 =	sadd.s32 $0x100, s29;
	[sflag:s22] =	ssyncadd.s32 $0xFFFFC180;
	(pc) =	sbr.rel @p0 .LBB2_4-.Ltmp1, $4  }
0x7a: {  	[tilespmem:s17], [sflag:$0x1] =	stream.indirect.gather [hbm4b:s1+s16], $0x80, s30, s16, $0xb8;
	[tilespmem:$0x1E400] =	vst v63  }
0x7b: {  	_ =	swait.ge [sflag:s23], $0x3E80  }
0x7c: {  	[sflag:s23] =	ssyncset.done $0x0  }
0x7d: {  	s29 =	sadd.s32 $0x180, s29;
	[sflag:s23] =	ssyncadd.s32 $0xFFFFC180  }
0x7e: {  	[tilespmem:s19], [sflag:$0x2] =	stream.indirect.gather [hbm4b:s1+s16], $0x80, s29, s16, $0xb8;
	[tilespmem:$0x1E400] =	vst v63  }
0x7f: {  	_ =	swait.ge [sflag:s20], $0x3E80  }
0x80: {  	[sflag:s20] =	ssyncset.done $0x0  }
0x81: {  	[sflag:s20] =	ssyncadd.s32 $0xFFFFC180  }
0x82: {  	[spmem:s2] =	stream.indirect.scatter.add.f32 [tilespmem:s17], [sflag:$0x3], $0x80, s24, s16, $0xb8;
	[tilespmem:$0x1E400] =	vst v63  }
0x83: {  	_ =	swait.ge [sflag:s21], $0x3E80  }
0x84: {  	[sflag:s21] =	ssyncset.done $0x0  }
0x85: {  	[sflag:s21] =	ssyncadd.s32 $0xFFFFC180  }
0x86: {  	[spmem:s2] =	stream.indirect.scatter.add.f32 [tilespmem:s19], [sflag:$0x4], $0x80, s25, s16, $0xb8;
	[tilespmem:$0x1E400] =	vst v63  }
0x87: {  	_ =	swait.ge [sflag:s22], $0x3E80  }
0x88: {  	[sflag:s22] =	ssyncset.done $0x0  }
0x89: {  	[sflag:s22] =	ssyncadd.s32 $0xFFFFC180  }
0x8a: {  	_ =	swait.ge [sflag:s23], $0x3E80  }
0x8b: {  	s26 =	sadd.s32 $0x1, s26;
	[sflag:s23] =	ssyncset.done $0x0  }
0x8c: {  	p0 =	sne.s32 s26, s12;
	[sflag:s23] =	ssyncadd.s32 $0xFFFFC180  }
.Ltmp2:
0x8d: {  	[bflag:$0x0] =	sbarrier.arrive $0xFFFF;
	(pc) =	sbr.rel @p0 .LBB2_1-.Ltmp2, $4  }
0x8e: {  	[hbm:s11], [sflag:s6] =	dma.local [spmem:s13], $0x2780  }
0x8f: {  	_ =	swait.ge [sflag:s14], $0x2780  }
0x90: {  	[sflag:s14] =	ssyncset.done $0x0  }
0x91: {  	[sflag:s14] =	ssyncadd.s32 $0xFFFFD880  }
0x92: {  	_ =	sfence.sel $0x180000  }
0x93: {  	[bflag:$0x0] =	sbarrier.arrive $0xFFFF  }
0x94: {  	p0 =	sne.s32 s3, $0x0;
	_ =	strace $0x9000004A  }
0x95: {  	s0 =	sadd.s32 @!p0 $0x100000, s0;
	[bflag:$0x2] =	sbarrier.arrive $0xFFFF  }
0x96: {  	[sflag:s0] =	ssyncadd.tile.s32 @!p0 $0x1;
	_ =	shalt  }
.Lfunc_end2:
_tile_overlayer_lowered:
.L_overlay_start_2:
0x97: {  	(tag) =	ssettag $0x2  }
0x98: {  	s0 =	rddreg [dreg:$0x0];
	s2 =	stileid.u32  }
0x99: {  	s1 =	rddreg [dreg:$0x1];
	p0 =	sne.s32 s2, $0x0  }
0x9a: {  	s3 =	rddreg [dreg:$0x2];
	[bflag:$0x3] =	sbarrier.arrive $0xFFFF;
	s2 =	simm.s32 @!p0 $0x1C05  }
0x9b: {  	[timem:s3], [sflag:s2] =	dma.local @!p0 [hbm:s0], s1  }
0x9c: {  	s0 =	simm.s32 @!p0 $0x5  }
0x9d: {  	_ =	swait.ge @!p0 [sflag:s0], s1  }
0x9e: {  	s1 =	ssub.s32 @!p0 $0x0, s1;
	[sflag:s0] =	ssyncset.done @!p0 $0x0  }
0x9f: {  	[sflag:s0] =	ssyncadd.s32 @!p0 s1  }
0xa0: {  	[bflag:$0x3] =	sbarrier.arrive $0xFFFF  }
0xa1: {  	_ =	shalt  }

</sc_bundles>
